<compile_context>
chip_gen: v7x
topology: tpu7x:2x2x1
jax: 0.10.2.dev20260603
libtpu: 0.0.44.dev20260713+nightly
codegen_flags: <defaults>
</compile_context>

<pallas_src>
import functools

import jax
import jax.numpy as jnp
from jax import lax
from jax.experimental import pallas as pl
from jax.experimental.pallas import tpu as pltpu
from jax.experimental.pallas import tpu_sc as plsc

N = 10000
H = 128
NG = 64
BLK = 1000
NB = N // BLK

NC, NS = 2, 16
NW = NC * NS
CH = 112
NPAD = 10112
RPT = NPAD // NS


def _relu(v):
    return jnp.maximum(v, 0.0)


def _leaky(v):
    return jnp.maximum(v, 0.01 * v)



def _enc_table_body(xb, w1, b1, w2, b2, e8, lw, lb, h_out, m_out):
    h = jnp.dot(_relu(jnp.dot(xb[...], w1[...], preferred_element_type=jnp.float32) + b1[...]),
                w2[...], preferred_element_type=jnp.float32) + b2[...]
    e = jnp.dot(e8[...], lw[...], preferred_element_type=jnp.float32) + lb[...]
    h_out[...] = h
    m_out[0] = _relu(h + e[0:1, :])
    m_out[1] = _relu(h + e[1:2, :])


def _conv_table_body(hb, aggb, w1, b1, sc, be, w2, b2, e8, lw, lb, h_out, m_out):
    hs = hb[...] + aggb[0] + aggb[1]
    y = _relu(jnp.dot(hs, w1[...], preferred_element_type=jnp.float32) + b1[...]) * sc[...] + be[...]
    z = _leaky(jnp.dot(y, w2[...], preferred_element_type=jnp.float32) + b2[...])
    e = jnp.dot(e8[...], lw[...], preferred_element_type=jnp.float32) + lb[...]
    h_out[...] = z
    m_out[0] = _relu(z + e[0:1, :])
    m_out[1] = _relu(z + e[1:2, :])


def _final_body(hb, aggb, w1, b1, sc, be, w2, b2, batchb, mw1, mb1, mw2r, mb2,
                out, pool_acc, cnt_acc):
    i = pl.program_id(0)

    @pl.when(i == 0)
    def _():
        pool_acc[...] = jnp.zeros_like(pool_acc)
        cnt_acc[...] = jnp.zeros_like(cnt_acc)

    hs = hb[...] + aggb[0] + aggb[1]
    y = _relu(jnp.dot(hs, w1[...], preferred_element_type=jnp.float32) + b1[...]) * sc[...] + be[...]
    z = _leaky(jnp.dot(y, w2[...], preferred_element_type=jnp.float32) + b2[...])

    b = batchb[0, 0, :]
    gids = lax.broadcasted_iota(jnp.int32, (NG, BLK), 0)
    oh = (gids == b[None, :]).astype(jnp.float32)
    pool_acc[...] += jnp.dot(oh, z, preferred_element_type=jnp.float32)
    cnt_acc[...] += jnp.broadcast_to(jnp.sum(oh, axis=1, keepdims=True), cnt_acc.shape)

    @pl.when(i == NB - 1)
    def _():
        pooled = pool_acc[...] / jnp.maximum(cnt_acc[...], 1.0)
        z1 = _relu(jnp.dot(pooled, mw1[...], preferred_element_type=jnp.float32) + mb1[...])
        z2 = jnp.sum(z1 * mw2r[...], axis=1, keepdims=True) + mb2[...]
        out[...] = jax.nn.sigmoid(z2)


def _full(shape):
    return pl.BlockSpec(shape, lambda i: tuple(0 for _ in shape))


def _enc_table(xp, w1p, b1, w2, b2, e8, lw, lb):
    return pl.pallas_call(
        _enc_table_body,
        grid=(NB,),
        in_specs=[
            pl.BlockSpec((BLK, 16), lambda i: (i, 0)),
            _full((16, H)), _full((1, H)), _full((H, H)), _full((1, H)),
            _full((8, H)), _full((H, H)), _full((1, H)),
        ],
        out_specs=[
            pl.BlockSpec((BLK, H), lambda i: (i, 0)),
            pl.BlockSpec((2, BLK, H), lambda i: (0, i, 0)),
        ],
        out_shape=[
            jax.ShapeDtypeStruct((N, H), jnp.float32),
            jax.ShapeDtypeStruct((2, N, H), jnp.float32),
        ],
    )(xp, w1p, b1, w2, b2, e8, lw, lb)


def _conv_table(h, agg, w1, b1, sc, be, w2, b2, e8, lw, lb):
    return pl.pallas_call(
        _conv_table_body,
        grid=(NB,),
        in_specs=[
            pl.BlockSpec((BLK, H), lambda i: (i, 0)),
            pl.BlockSpec((2, BLK, H), lambda i: (0, i, 0)),
            _full((H, H)), _full((1, H)), _full((1, H)), _full((1, H)),
            _full((H, H)), _full((1, H)),
            _full((8, H)), _full((H, H)), _full((1, H)),
        ],
        out_specs=[
            pl.BlockSpec((BLK, H), lambda i: (i, 0)),
            pl.BlockSpec((2, BLK, H), lambda i: (0, i, 0)),
        ],
        out_shape=[
            jax.ShapeDtypeStruct((N, H), jnp.float32),
            jax.ShapeDtypeStruct((2, N, H), jnp.float32),
        ],
    )(h, agg, w1, b1, sc, be, w2, b2, e8, lw, lb)


def _final(h, agg, w1, b1, sc, be, w2, b2, batch3, mw1, mb1, mw2r, mb2):
    return pl.pallas_call(
        _final_body,
        grid=(NB,),
        in_specs=[
            pl.BlockSpec((BLK, H), lambda i: (i, 0)),
            pl.BlockSpec((2, BLK, H), lambda i: (0, i, 0)),
            _full((H, H)), _full((1, H)), _full((1, H)), _full((1, H)),
            _full((H, H)), _full((1, H)),
            pl.BlockSpec((1, 1, BLK), lambda i: (i, 0, 0)),
            _full((H, NG)), _full((1, NG)), _full((1, NG)), _full((1, 1)),
        ],
        out_specs=pl.BlockSpec((NG, 1), lambda i: (0, 0)),
        out_shape=jax.ShapeDtypeStruct((NG, 1), jnp.float32),
        scratch_shapes=[
            pltpu.VMEM((NG, H), jnp.float32),
            pltpu.VMEM((NG, H), jnp.float32),
        ],
    )(h, agg, w1, b1, sc, be, w2, b2, batch3, mw1, mb1, mw2r, mb2)



NBUF = 2


def _gidx_body(eib, typb, out):
    out[0] = eib[0] + typb[0] * N
    out[1] = eib[1]


def _gidx(ei, et2):
    e = ei.shape[1]
    return pl.pallas_call(
        _gidx_body,
        grid=(1,),
        in_specs=[pl.BlockSpec((2, e), lambda i: (0, 0)),
                  pl.BlockSpec((1, e), lambda i: (0, 0))],
        out_specs=pl.BlockSpec((2, e), lambda i: (0, 0)),
        out_shape=jax.ShapeDtypeStruct((2, e), jnp.int32),
    )(ei, et2)


def _sc_agg_body(ept, nlast, m_hbm, gd_hbm, out_hbm,
                 gidxv, dstv, rowbufs, acc, gsems, ssems):
    k = ept // CH
    c = lax.axis_index("c")
    s = lax.axis_index("s")
    w = c * NS + s
    ebase = w * ept

    zv = jnp.zeros((16,), jnp.float32)

    def zrow(r, carry):
        for l in range(8):
            rowbufs[0][r, pl.ds(l * 16, 16)] = zv
        return carry

    lax.fori_loop(0, CH, zrow, 0)

    row0 = s * RPT
    nfull, rem = RPT // CH, RPT % CH
    for p in range(nfull):
        pltpu.sync_copy(rowbufs[0], acc.at[pl.ds(row0 + p * CH, CH)])
    if rem:
        pltpu.sync_copy(rowbufs[0].at[pl.ds(0, rem)], acc.at[pl.ds(row0 + nfull * CH, rem)])

    def fire_gather(j, b):
        pltpu.async_copy(m_hbm.at[gidxv.at[pl.ds(j * CH, CH)]], rowbufs[b], gsems[b])

    def wait_gather(j, b):
        pltpu.make_async_copy(m_hbm.at[gidxv.at[pl.ds(j * CH, CH)]],
                              rowbufs[b], gsems[b]).wait()

    def fire_scatter(j, b):
        pltpu.async_copy(rowbufs[b], acc.at[dstv.at[pl.ds(j * CH, CH)]],
                         ssems[b], add=True)

    def wait_scatter(j, b):
        pltpu.make_async_copy(rowbufs[b], acc.at[dstv.at[pl.ds(j * CH, CH)]],
                              ssems[b]).wait()

    er = (NW - 1) * ept + nlast

    @pl.when(w < NW - 1)
    def _():
        pltpu.sync_copy(gd_hbm.at[pl.ds(ebase, ept)], gidxv)
        pltpu.sync_copy(gd_hbm.at[pl.ds(er + ebase, ept)], dstv)

    @pl.when(w == NW - 1)
    def _():
        pltpu.sync_copy(gd_hbm.at[pl.ds(ebase, nlast)], gidxv.at[pl.ds(0, nlast)])
        pltpu.sync_copy(gd_hbm.at[pl.ds(er + ebase, nlast)], dstv.at[pl.ds(0, nlast)])
        lane = jnp.arange(16, dtype=jnp.int32)

        def fill(r, carry):
            off = nlast + r * 16
            gidxv[pl.ds(off, 16)] = lane + r * 16
            dstv[pl.ds(off, 16)] = lane + (r % 7) * 16 + N
            return carry

        lax.fori_loop(0, (ept - nlast) // 16, fill, 0)

    plsc.subcore_barrier()

    for b in range(NBUF - 1):
        fire_gather(b, b)

    def step(g, carry):
        for b in range(NBUF):
            j = g * NBUF + b
            nb = (b + NBUF - 1) % NBUF
            jn = j + NBUF - 1
            if b == 0:
                @pl.when(g > 0)
                def _():
                    wait_scatter(j - 1, nb)
            else:
                wait_scatter(j - 1, nb)

            @pl.when(jn < k)
            def _():
                fire_gather(jn, nb)

            wait_gather(j, b)
            fire_scatter(j, b)
        return carry

    lax.fori_loop(0, k // NBUF, step, 0)
    wait_scatter(k - 1, (k - 1) % NBUF)

    plsc.subcore_barrier()
    pltpu.sync_copy(acc.at[pl.ds(row0, RPT)], out_hbm.at[c, pl.ds(row0, RPT)])


def _sc_agg(m2d, gdf, ept, nlast):
    return pl.kernel(
        functools.partial(_sc_agg_body, ept, nlast),
        out_type=jax.ShapeDtypeStruct((NC, NPAD, H), jnp.float32),
        mesh=plsc.VectorSubcoreMesh(core_axis_name="c", subcore_axis_name="s",
                                    num_cores=NC, num_subcores=NS),
        scratch_types=[
            pltpu.VMEM((ept,), jnp.int32),
            pltpu.VMEM((ept,), jnp.int32),
            [pltpu.VMEM((CH, H), jnp.float32) for _ in range(NBUF)],
            pltpu.VMEM_SHARED((NPAD, H), jnp.float32),
            [pltpu.SemaphoreType.DMA for _ in range(NBUF)],
            [pltpu.SemaphoreType.DMA for _ in range(NBUF)],
        ],
    )(m2d, gdf)



def kernel(x, edge_index, edge_type, batch,
           enc_w1, enc_b1, enc_w2, enc_b2, edge_w, edge_b,
           c1_lin_w, c1_lin_b, c1_w1, c1_b1, c1_g, c1_be, c1_w2, c1_b2,
           c2_lin_w, c2_lin_b, c2_w1, c2_b1, c2_g, c2_be, c2_w2, c2_b2,
           m_w1, m_b1, m_w2, m_b2):
    e = edge_index.shape[1]
    in_f = x.shape[1]

    xp = jnp.pad(x, ((0, 0), (0, 16 - in_f)))
    w1p = jnp.pad(enc_w1, ((0, 16 - in_f), (0, 0)))
    r = lambda v: v.reshape(1, -1)
    e2 = jnp.stack([edge_b, edge_w[0] + edge_b])
    e8 = jnp.pad(e2, ((0, 6), (0, 0)))
    bn_inv = 1.0 / jnp.sqrt(1.0 + 1e-5)
    sc1, sc2 = r(c1_g * bn_inv), r(c2_g * bn_inv)

    kk = -(-e // (NW * CH))
    kk += (-kk) % NBUF
    ept = kk * CH
    nlast = e - (NW - 1) * ept
    batch3 = batch.reshape(NB, 1, BLK)

    gdf = _gidx(edge_index, edge_type.reshape(1, e)).reshape(-1)
    h0, m1 = _enc_table(xp, w1p, r(enc_b1), enc_w2, r(enc_b2),
                        e8, c1_lin_w, r(c1_lin_b))
    agg1 = _sc_agg(m1.reshape(2 * N, H), gdf, ept, nlast)
    h1, m2 = _conv_table(h0, agg1, c1_w1, r(c1_b1), sc1, r(c1_be),
                         c1_w2, r(c1_b2), e8, c2_lin_w, r(c2_lin_b))
    agg2 = _sc_agg(m2.reshape(2 * N, H), gdf, ept, nlast)
    return _final(h1, agg2, c2_w1, r(c2_b1), sc2, r(c2_be), c2_w2, r(c2_b2),
                  batch3, m_w1, r(m_b1), r(m_w2[:, 0]), m_b2.reshape(1, 1))

# --- scband reference (transcript-rebuilt; emitter-appended) ---
"""Pipeline reference for scband-battle-gnn-70171175682734 (READ-ONLY COPY).

The authoritative reference and input builder live on the scoring server;
editing this copy changes nothing except your own understanding.
"""

import jax, jax.numpy as jnp
import numpy as np

N = 10000
E = 320000
H = 128
A = 8
NG = 64
IN_F = 3 + A


def setup_inputs(seed: int = 0) -> dict:
    key = jax.random.key(seed)
    ks = jax.random.split(key, 32)

    def nrm(k, shape, s=0.05):
        return jax.random.normal(k, shape, dtype=jnp.float32) * s

    inp = {}
    inp["x"] = jax.random.normal(ks[0], (N, IN_F), dtype=jnp.float32)
    inp["edge_index"] = jax.random.randint(ks[1], (2, E), 0, N, dtype=jnp.int32)
    inp["edge_type"] = jax.random.randint(ks[2], (E,), 0, 2, dtype=jnp.int32)
    inp["batch"] = jnp.sort(jax.random.randint(ks[3], (N,), 0, NG, dtype=jnp.int32))
    # node encoder
    inp["enc_w1"] = nrm(ks[4], (IN_F, H))
    inp["enc_b1"] = jnp.zeros((H,), jnp.float32)
    inp["enc_w2"] = nrm(ks[5], (H, H))
    inp["enc_b2"] = jnp.zeros((H,), jnp.float32)
    # edge embedding
    inp["edge_w"] = nrm(ks[6], (1, H))
    inp["edge_b"] = jnp.zeros((H,), jnp.float32)
    # conv1 (GINEConv: lin for edge_attr + nn = Linear,ReLU,BN,Linear)
    inp["c1_lin_w"] = nrm(ks[7], (H, H)); inp["c1_lin_b"] = jnp.zeros((H,), jnp.float32)
    inp["c1_w1"] = nrm(ks[8], (H, H)); inp["c1_b1"] = jnp.zeros((H,), jnp.float32)
    inp["c1_g"] = jnp.ones((H,), jnp.float32); inp["c1_be"] = jnp.zeros((H,), jnp.float32)
    inp["c1_w2"] = nrm(ks[9], (H, H)); inp["c1_b2"] = jnp.zeros((H,), jnp.float32)
    # conv2
    inp["c2_lin_w"] = nrm(ks[10], (H, H)); inp["c2_lin_b"] = jnp.zeros((H,), jnp.float32)
    inp["c2_w1"] = nrm(ks[11], (H, H)); inp["c2_b1"] = jnp.zeros((H,), jnp.float32)
    inp["c2_g"] = jnp.ones((H,), jnp.float32); inp["c2_be"] = jnp.zeros((H,), jnp.float32)
    inp["c2_w2"] = nrm(ks[12], (H, H)); inp["c2_b2"] = jnp.zeros((H,), jnp.float32)
    # final mlp
    inp["m_w1"] = nrm(ks[13], (H, H // 2)); inp["m_b1"] = jnp.zeros((H // 2,), jnp.float32)
    inp["m_w2"] = nrm(ks[14], (H // 2, 1)); inp["m_b2"] = jnp.zeros((1,), jnp.float32)
    return inp


def _bn_eval(h, g, b):
    # BatchNorm1d in eval mode with init running stats (mean=0, var=1)
    return h / jnp.sqrt(1.0 + 1e-5) * g + b


def _gine_conv(x, src, dst, e_emb, lin_w, lin_b, w1, b1, g, be, w2, b2):
    e = e_emb @ lin_w + lin_b
    msg = jax.nn.relu(x[src] + e)
    agg = jax.ops.segment_sum(msg, dst, num_segments=x.shape[0])
    h = x + agg  # (1 + eps) * x + agg, eps = 0
    h = h @ w1 + b1
    h = jax.nn.relu(h)
    h = _bn_eval(h, g, be)
    h = h @ w2 + b2
    return h


def reference(x, edge_index, edge_type, batch,
              enc_w1, enc_b1, enc_w2, enc_b2, edge_w, edge_b,
              c1_lin_w, c1_lin_b, c1_w1, c1_b1, c1_g, c1_be, c1_w2, c1_b2,
              c2_lin_w, c2_lin_b, c2_w1, c2_b1, c2_g, c2_be, c2_w2, c2_b2,
              m_w1, m_b1, m_w2, m_b2):
    src, dst = edge_index[0], edge_index[1]
    h = jax.nn.relu(x @ enc_w1 + enc_b1) @ enc_w2 + enc_b2
    e_emb = edge_type.astype(jnp.float32)[:, None] @ edge_w + edge_b
    h = jax.nn.leaky_relu(_gine_conv(h, src, dst, e_emb, c1_lin_w, c1_lin_b, c1_w1, c1_b1, c1_g, c1_be, c1_w2, c1_b2), 0.01)
    h = jax.nn.leaky_relu(_gine_conv(h, src, dst, e_emb, c2_lin_w, c2_lin_b, c2_w1, c2_b1, c2_g, c2_be, c2_w2, c2_b2), 0.01)
    sums = jax.ops.segment_sum(h, batch, num_segments=NG)
    counts = jax.ops.segment_sum(jnp.ones((h.shape[0],), jnp.float32), batch, num_segments=NG)
    pooled = sums / jnp.maximum(counts, 1.0)[:, None]
    out = jax.nn.relu(pooled @ m_w1 + m_b1) @ m_w2 + m_b2  # dropout = identity (eval)
    return jax.nn.sigmoid(out)

if __name__ == "__main__":
    import jax
    _d = setup_inputs()
    print(jax.jit(kernel)(*tuple(_d.values())))

</pallas_src>

<mosaic_0001>
#map = affine_map<(d0, d1) -> (0, 0)>
#map1 = affine_map<(d0, d1) -> (0)>
#map2 = affine_map<(d0, d1) -> (0, 0, 0)>
module attributes {stable_mosaic.version = 14 : i64} {
  func.func @_sc_agg_body(%arg0: i32, %arg1: i32, %arg2: memref<20000x128xf32, #tpu.memory_space<hbm>>, %arg3: memref<640000xi32, #tpu.memory_space<hbm>>, %arg4: memref<2x10112x128xf32, #tpu.memory_space<hbm>>, %arg5: memref<10080xi32, #tpu.memory_space<vmem>>, %arg6: memref<10080xi32, #tpu.memory_space<vmem>>, %arg7: memref<112x128xf32, #tpu.memory_space<vmem>>, %arg8: memref<112x128xf32, #tpu.memory_space<vmem>>, %arg9: memref<10112x128xf32, #tpu.memory_space<vmem_shared>>, %arg10: memref<!tpu.dma_semaphore, #tpu.memory_space<semaphore_mem>>, %arg11: memref<!tpu.dma_semaphore, #tpu.memory_space<semaphore_mem>>, %arg12: memref<!tpu.dma_semaphore, #tpu.memory_space<semaphore_mem>>, %arg13: memref<!tpu.dma_semaphore, #tpu.memory_space<semaphore_mem>>) attributes {dimension_semantics = [#tpu.dimension_semantics<core_parallel>, #tpu.dimension_semantics<subcore_parallel>], iteration_bounds = array<i64: 2, 16>, scalar_prefetch = 0 : i64, scratch_operands = 9 : i64, tpu.core_type = #tpu.core_type<sc_vector_subcore>, window_params = [{transform_indices = #map}, {transform_indices = #map1}, {transform_indices = #map2}]} {
    %mul3A = arith.constant 16 : i32
    %mul3A_0 = arith.muli %arg0, %mul3A : i32
    %add3A = arith.addi %mul3A_0, %arg1 : i32
    %mul3A_1 = arith.constant 10080 : i32
    %mul3A_2 = arith.muli %add3A, %mul3A_1 : i32
    %broadcast_in_dim3A = arith.constant 0.000000e+00 : f32
    %broadcast_in_dim3A_3 = vector.broadcast %broadcast_in_dim3A : f32 to vector<16xf32>
    %scan3A = arith.constant 0 : i32
    %scan3A_4 = arith.constant 0 : i32
    %scan3A_5 = arith.constant 112 : i32
    %scan3A_6 = arith.addi %scan3A_4, %scan3A_5 : i32
    %scan3A_7 = arith.constant 1 : i32
    scf.for %scan3A_44 = %scan3A_4 to %scan3A_6 step %scan3A_7  : i32 {
      %swap3A = arith.index_cast %scan3A_44 : i32 to index
      %swap3A_45 = arith.constant 0 : index
      %swap3A_46 = tpu.vector_load %arg7[%swap3A, %swap3A_45] {strides = array<i32>} : memref<112x128xf32, #tpu.memory_space<vmem>>, vector<1x16xf32>,
      %swap3A_47 = vector.shape_cast %swap3A_46 : vector<1x16xf32> to vector<16xf32>
      %swap3A_48 = vector.shape_cast %broadcast_in_dim3A_3 : vector<16xf32> to vector<1x16xf32>
      tpu.vector_store %arg7[%swap3A, %swap3A_45], %swap3A_48 {strides = array<i32>} : memref<112x128xf32, #tpu.memory_space<vmem>>, vector<1x16xf32>,
      %swap3A_49 = arith.index_cast %scan3A_44 : i32 to index
      %swap3A_50 = arith.constant 16 : index
      %swap3A_51 = tpu.vector_load %arg7[%swap3A_49, %swap3A_50] {strides = array<i32>} : memref<112x128xf32, #tpu.memory_space<vmem>>, vector<1x16xf32>,
      %swap3A_52 = vector.shape_cast %swap3A_51 : vector<1x16xf32> to vector<16xf32>
      %swap3A_53 = vector.shape_cast %broadcast_in_dim3A_3 : vector<16xf32> to vector<1x16xf32>
      tpu.vector_store %arg7[%swap3A_49, %swap3A_50], %swap3A_53 {strides = array<i32>} : memref<112x128xf32, #tpu.memory_space<vmem>>, vector<1x16xf32>,
      %swap3A_54 = arith.index_cast %scan3A_44 : i32 to index
      %swap3A_55 = arith.constant 32 : index
      %swap3A_56 = tpu.vector_load %arg7[%swap3A_54, %swap3A_55] {strides = array<i32>} : memref<112x128xf32, #tpu.memory_space<vmem>>, vector<1x16xf32>,
      %swap3A_57 = vector.shape_cast %swap3A_56 : vector<1x16xf32> to vector<16xf32>
      %swap3A_58 = vector.shape_cast %broadcast_in_dim3A_3 : vector<16xf32> to vector<1x16xf32>
      tpu.vector_store %arg7[%swap3A_54, %swap3A_55], %swap3A_58 {strides = array<i32>} : memref<112x128xf32, #tpu.memory_space<vmem>>, vector<1x16xf32>,
      %swap3A_59 = arith.index_cast %scan3A_44 : i32 to index
      %swap3A_60 = arith.constant 48 : index
      %swap3A_61 = tpu.vector_load %arg7[%swap3A_59, %swap3A_60] {strides = array<i32>} : memref<112x128xf32, #tpu.memory_space<vmem>>, vector<1x16xf32>,
      %swap3A_62 = vector.shape_cast %swap3A_61 : vector<1x16xf32> to vector<16xf32>
      %swap3A_63 = vector.shape_cast %broadcast_in_dim3A_3 : vector<16xf32> to vector<1x16xf32>
      tpu.vector_store %arg7[%swap3A_59, %swap3A_60], %swap3A_63 {strides = array<i32>} : memref<112x128xf32, #tpu.memory_space<vmem>>, vector<1x16xf32>,
      %swap3A_64 = arith.index_cast %scan3A_44 : i32 to index
      %swap3A_65 = arith.constant 64 : index
      %swap3A_66 = tpu.vector_load %arg7[%swap3A_64, %swap3A_65] {strides = array<i32>} : memref<112x128xf32, #tpu.memory_space<vmem>>, vector<1x16xf32>,
      %swap3A_67 = vector.shape_cast %swap3A_66 : vector<1x16xf32> to vector<16xf32>
      %swap3A_68 = vector.shape_cast %broadcast_in_dim3A_3 : vector<16xf32> to vector<1x16xf32>
      tpu.vector_store %arg7[%swap3A_64, %swap3A_65], %swap3A_68 {strides = array<i32>} : memref<112x128xf32, #tpu.memory_space<vmem>>, vector<1x16xf32>,
      %swap3A_69 = arith.index_cast %scan3A_44 : i32 to index
      %swap3A_70 = arith.constant 80 : index
      %swap3A_71 = tpu.vector_load %arg7[%swap3A_69, %swap3A_70] {strides = array<i32>} : memref<112x128xf32, #tpu.memory_space<vmem>>, vector<1x16xf32>,
      %swap3A_72 = vector.shape_cast %swap3A_71 : vector<1x16xf32> to vector<16xf32>
      %swap3A_73 = vector.shape_cast %broadcast_in_dim3A_3 : vector<16xf32> to vector<1x16xf32>
      tpu.vector_store %arg7[%swap3A_69, %swap3A_70], %swap3A_73 {strides = array<i32>} : memref<112x128xf32, #tpu.memory_space<vmem>>, vector<1x16xf32>,
      %swap3A_74 = arith.index_cast %scan3A_44 : i32 to index
      %swap3A_75 = arith.constant 96 : index
      %swap3A_76 = tpu.vector_load %arg7[%swap3A_74, %swap3A_75] {strides = array<i32>} : memref<112x128xf32, #tpu.memory_space<vmem>>, vector<1x16xf32>,
      %swap3A_77 = vector.shape_cast %swap3A_76 : vector<1x16xf32> to vector<16xf32>
      %swap3A_78 = vector.shape_cast %broadcast_in_dim3A_3 : vector<16xf32> to vector<1x16xf32>
      tpu.vector_store %arg7[%swap3A_74, %swap3A_75], %swap3A_78 {strides = array<i32>} : memref<112x128xf32, #tpu.memory_space<vmem>>, vector<1x16xf32>,
      %swap3A_79 = arith.index_cast %scan3A_44 : i32 to index
      %swap3A_80 = arith.constant 112 : index
      %swap3A_81 = tpu.vector_load %arg7[%swap3A_79, %swap3A_80] {strides = array<i32>} : memref<112x128xf32, #tpu.memory_space<vmem>>, vector<1x16xf32>,
      %swap3A_82 = vector.shape_cast %swap3A_81 : vector<1x16xf32> to vector<16xf32>
      %swap3A_83 = vector.shape_cast %broadcast_in_dim3A_3 : vector<16xf32> to vector<1x16xf32>
      tpu.vector_store %arg7[%swap3A_79, %swap3A_80], %swap3A_83 {strides = array<i32>} : memref<112x128xf32, #tpu.memory_space<vmem>>, vector<1x16xf32>,
    }
    %scan3A_8 = arith.constant 112 : i32
    %mul3A_9 = arith.constant 632 : i32
    %mul3A_10 = arith.muli %arg1, %mul3A_9 : i32
    %add3A_11 = arith.constant 0 : i32
    %add3A_12 = arith.addi %mul3A_10, %add3A_11 : i32
    "tpu.region"() ({
      %run_scoped3A = tpu.sem_alloc : memref<!tpu.dma_semaphore, #tpu.memory_space<semaphore_mem>>
      %dma_start3A_44 = arith.constant 0 : i32
      %dma_start3A_45 = tpu.memref_slice %arg9[%add3A_12, %dma_start3A_44] : memref<10112x128xf32, #tpu.memory_space<vmem_shared>> -> memref<112x128xf32, #tpu.memory_space<vmem_shared>>
      %dma_start3A_46 = arith.constant 0 : i32
      %dma_start3A_47 = tpu.memref_slice %arg9[%add3A_12, %dma_start3A_46] : memref<10112x128xf32, #tpu.memory_space<vmem_shared>> -> memref<112x128xf32, #tpu.memory_space<vmem_shared>>
      tpu.enqueue_dma source(%arg7 : memref<112x128xf32, #tpu.memory_space<vmem>>) target(%dma_start3A_47 : memref<112x128xf32, #tpu.memory_space<vmem_shared>>) target_semaphore(%run_scoped3A : memref<!tpu.dma_semaphore, #tpu.memory_space<semaphore_mem>>)
      %dma_wait3A_48 = arith.constant 0 : i32
      %dma_wait3A_49 = tpu.memref_slice %arg9[%add3A_12, %dma_wait3A_48] : memref<10112x128xf32, #tpu.memory_space<vmem_shared>> -> memref<112x128xf32, #tpu.memory_space<vmem_shared>>
      %dma_wait3A_50 = arith.constant 0 : i32
      %dma_wait3A_51 = tpu.memref_slice %arg9[%add3A_12, %dma_wait3A_50] : memref<10112x128xf32, #tpu.memory_space<vmem_shared>> -> memref<112x128xf32, #tpu.memory_space<vmem_shared>>
      tpu.wait_dma2 semaphore(%run_scoped3A : memref<!tpu.dma_semaphore, #tpu.memory_space<semaphore_mem>>) src(%arg7 : memref<112x128xf32, #tpu.memory_space<vmem>>) dst(%dma_wait3A_51 : memref<112x128xf32, #tpu.memory_space<vmem_shared>>)
      tpu.yield
    }) : () -> ()
    %add3A_13 = arith.constant 112 : i32
    %add3A_14 = arith.addi %mul3A_10, %add3A_13 : i32
    "tpu.region"() ({
      %run_scoped3A = tpu.sem_alloc : memref<!tpu.dma_semaphore, #tpu.memory_space<semaphore_mem>>
      %dma_start3A_44 = arith.constant 0 : i32
      %dma_start3A_45 = tpu.memref_slice %arg9[%add3A_14, %dma_start3A_44] : memref<10112x128xf32, #tpu.memory_space<vmem_shared>> -> memref<112x128xf32, #tpu.memory_space<vmem_shared>>
      %dma_start3A_46 = arith.constant 0 : i32
      %dma_start3A_47 = tpu.memref_slice %arg9[%add3A_14, %dma_start3A_46] : memref<10112x128xf32, #tpu.memory_space<vmem_shared>> -> memref<112x128xf32, #tpu.memory_space<vmem_shared>>
      tpu.enqueue_dma source(%arg7 : memref<112x128xf32, #tpu.memory_space<vmem>>) target(%dma_start3A_47 : memref<112x128xf32, #tpu.memory_space<vmem_shared>>) target_semaphore(%run_scoped3A : memref<!tpu.dma_semaphore, #tpu.memory_space<semaphore_mem>>)
      %dma_wait3A_48 = arith.constant 0 : i32
      %dma_wait3A_49 = tpu.memref_slice %arg9[%add3A_14, %dma_wait3A_48] : memref<10112x128xf32, #tpu.memory_space<vmem_shared>> -> memref<112x128xf32, #tpu.memory_space<vmem_shared>>
      %dma_wait3A_50 = arith.constant 0 : i32
      %dma_wait3A_51 = tpu.memref_slice %arg9[%add3A_14, %dma_wait3A_50] : memref<10112x128xf32, #tpu.memory_space<vmem_shared>> -> memref<112x128xf32, #tpu.memory_space<vmem_shared>>
      tpu.wait_dma2 semaphore(%run_scoped3A : memref<!tpu.dma_semaphore, #tpu.memory_space<semaphore_mem>>) src(%arg7 : memref<112x128xf32, #tpu.memory_space<vmem>>) dst(%dma_wait3A_51 : memref<112x128xf32, #tpu.memory_space<vmem_shared>>)
      tpu.yield
    }) : () -> ()
    %add3A_15 = arith.constant 224 : i32
    %add3A_16 = arith.addi %mul3A_10, %add3A_15 : i32
    "tpu.region"() ({
      %run_scoped3A = tpu.sem_alloc : memref<!tpu.dma_semaphore, #tpu.memory_space<semaphore_mem>>
      %dma_start3A_44 = arith.constant 0 : i32
      %dma_start3A_45 = tpu.memref_slice %arg9[%add3A_16, %dma_start3A_44] : memref<10112x128xf32, #tpu.memory_space<vmem_shared>> -> memref<112x128xf32, #tpu.memory_space<vmem_shared>>
      %dma_start3A_46 = arith.constant 0 : i32
      %dma_start3A_47 = tpu.memref_slice %arg9[%add3A_16, %dma_start3A_46] : memref<10112x128xf32, #tpu.memory_space<vmem_shared>> -> memref<112x128xf32, #tpu.memory_space<vmem_shared>>
      tpu.enqueue_dma source(%arg7 : memref<112x128xf32, #tpu.memory_space<vmem>>) target(%dma_start3A_47 : memref<112x128xf32, #tpu.memory_space<vmem_shared>>) target_semaphore(%run_scoped3A : memref<!tpu.dma_semaphore, #tpu.memory_space<semaphore_mem>>)
      %dma_wait3A_48 = arith.constant 0 : i32
      %dma_wait3A_49 = tpu.memref_slice %arg9[%add3A_16, %dma_wait3A_48] : memref<10112x128xf32, #tpu.memory_space<vmem_shared>> -> memref<112x128xf32, #tpu.memory_space<vmem_shared>>
      %dma_wait3A_50 = arith.constant 0 : i32
      %dma_wait3A_51 = tpu.memref_slice %arg9[%add3A_16, %dma_wait3A_50] : memref<10112x128xf32, #tpu.memory_space<vmem_shared>> -> memref<112x128xf32, #tpu.memory_space<vmem_shared>>
      tpu.wait_dma2 semaphore(%run_scoped3A : memref<!tpu.dma_semaphore, #tpu.memory_space<semaphore_mem>>) src(%arg7 : memref<112x128xf32, #tpu.memory_space<vmem>>) dst(%dma_wait3A_51 : memref<112x128xf32, #tpu.memory_space<vmem_shared>>)
      tpu.yield
    }) : () -> ()
    %add3A_17 = arith.constant 336 : i32
    %add3A_18 = arith.addi %mul3A_10, %add3A_17 : i32
    "tpu.region"() ({
      %run_scoped3A = tpu.sem_alloc : memref<!tpu.dma_semaphore, #tpu.memory_space<semaphore_mem>>
      %dma_start3A_44 = arith.constant 0 : i32
      %dma_start3A_45 = tpu.memref_slice %arg9[%add3A_18, %dma_start3A_44] : memref<10112x128xf32, #tpu.memory_space<vmem_shared>> -> memref<112x128xf32, #tpu.memory_space<vmem_shared>>
      %dma_start3A_46 = arith.constant 0 : i32
      %dma_start3A_47 = tpu.memref_slice %arg9[%add3A_18, %dma_start3A_46] : memref<10112x128xf32, #tpu.memory_space<vmem_shared>> -> memref<112x128xf32, #tpu.memory_space<vmem_shared>>
      tpu.enqueue_dma source(%arg7 : memref<112x128xf32, #tpu.memory_space<vmem>>) target(%dma_start3A_47 : memref<112x128xf32, #tpu.memory_space<vmem_shared>>) target_semaphore(%run_scoped3A : memref<!tpu.dma_semaphore, #tpu.memory_space<semaphore_mem>>)
      %dma_wait3A_48 = arith.constant 0 : i32
      %dma_wait3A_49 = tpu.memref_slice %arg9[%add3A_18, %dma_wait3A_48] : memref<10112x128xf32, #tpu.memory_space<vmem_shared>> -> memref<112x128xf32, #tpu.memory_space<vmem_shared>>
      %dma_wait3A_50 = arith.constant 0 : i32
      %dma_wait3A_51 = tpu.memref_slice %arg9[%add3A_18, %dma_wait3A_50] : memref<10112x128xf32, #tpu.memory_space<vmem_shared>> -> memref<112x128xf32, #tpu.memory_space<vmem_shared>>
      tpu.wait_dma2 semaphore(%run_scoped3A : memref<!tpu.dma_semaphore, #tpu.memory_space<semaphore_mem>>) src(%arg7 : memref<112x128xf32, #tpu.memory_space<vmem>>) dst(%dma_wait3A_51 : memref<112x128xf32, #tpu.memory_space<vmem_shared>>)
      tpu.yield
    }) : () -> ()
    %add3A_19 = arith.constant 448 : i32
    %add3A_20 = arith.addi %mul3A_10, %add3A_19 : i32
    "tpu.region"() ({
      %run_scoped3A = tpu.sem_alloc : memref<!tpu.dma_semaphore, #tpu.memory_space<semaphore_mem>>
      %dma_start3A_44 = arith.constant 0 : i32
      %dma_start3A_45 = tpu.memref_slice %arg9[%add3A_20, %dma_start3A_44] : memref<10112x128xf32, #tpu.memory_space<vmem_shared>> -> memref<112x128xf32, #tpu.memory_space<vmem_shared>>
      %dma_start3A_46 = arith.constant 0 : i32
      %dma_start3A_47 = tpu.memref_slice %arg9[%add3A_20, %dma_start3A_46] : memref<10112x128xf32, #tpu.memory_space<vmem_shared>> -> memref<112x128xf32, #tpu.memory_space<vmem_shared>>
      tpu.enqueue_dma source(%arg7 : memref<112x128xf32, #tpu.memory_space<vmem>>) target(%dma_start3A_47 : memref<112x128xf32, #tpu.memory_space<vmem_shared>>) target_semaphore(%run_scoped3A : memref<!tpu.dma_semaphore, #tpu.memory_space<semaphore_mem>>)
      %dma_wait3A_48 = arith.constant 0 : i32
      %dma_wait3A_49 = tpu.memref_slice %arg9[%add3A_20, %dma_wait3A_48] : memref<10112x128xf32, #tpu.memory_space<vmem_shared>> -> memref<112x128xf32, #tpu.memory_space<vmem_shared>>
      %dma_wait3A_50 = arith.constant 0 : i32
      %dma_wait3A_51 = tpu.memref_slice %arg9[%add3A_20, %dma_wait3A_50] : memref<10112x128xf32, #tpu.memory_space<vmem_shared>> -> memref<112x128xf32, #tpu.memory_space<vmem_shared>>
      tpu.wait_dma2 semaphore(%run_scoped3A : memref<!tpu.dma_semaphore, #tpu.memory_space<semaphore_mem>>) src(%arg7 : memref<112x128xf32, #tpu.memory_space<vmem>>) dst(%dma_wait3A_51 : memref<112x128xf32, #tpu.memory_space<vmem_shared>>)
      tpu.yield
    }) : () -> ()
    %add3A_21 = arith.constant 560 : i32
    %add3A_22 = arith.addi %mul3A_10, %add3A_21 : i32
    "tpu.region"() ({
      %run_scoped3A = tpu.sem_alloc : memref<!tpu.dma_semaphore, #tpu.memory_space<semaphore_mem>>
      %dma_start3A_44 = arith.constant 0 : i32
      %dma_start3A_45 = arith.constant 0 : i32
      %dma_start3A_46 = tpu.memref_slice %arg7[%dma_start3A_44, %dma_start3A_45] : memref<112x128xf32, #tpu.memory_space<vmem>> -> memref<72x128xf32, #tpu.memory_space<vmem>>
      %dma_start3A_47 = arith.constant 0 : i32
      %dma_start3A_48 = tpu.memref_slice %arg9[%add3A_22, %dma_start3A_47] : memref<10112x128xf32, #tpu.memory_space<vmem_shared>> -> memref<72x128xf32, #tpu.memory_space<vmem_shared>>
      %dma_start3A_49 = arith.constant 0 : i32
      %dma_start3A_50 = tpu.memref_slice %arg9[%add3A_22, %dma_start3A_49] : memref<10112x128xf32, #tpu.memory_space<vmem_shared>> -> memref<72x128xf32, #tpu.memory_space<vmem_shared>>
      %dma_start3A_51 = arith.constant 0 : i32
      %dma_start3A_52 = arith.constant 0 : i32
      %dma_start3A_53 = tpu.memref_slice %arg7[%dma_start3A_51, %dma_start3A_52] : memref<112x128xf32, #tpu.memory_space<vmem>> -> memref<72x128xf32, #tpu.memory_space<vmem>>
      tpu.enqueue_dma source(%dma_start3A_53 : memref<72x128xf32, #tpu.memory_space<vmem>>) target(%dma_start3A_50 : memref<72x128xf32, #tpu.memory_space<vmem_shared>>) target_semaphore(%run_scoped3A : memref<!tpu.dma_semaphore, #tpu.memory_space<semaphore_mem>>)
      %dma_wait3A_54 = arith.constant 0 : i32
      %dma_wait3A_55 = arith.constant 0 : i32
      %dma_wait3A_56 = tpu.memref_slice %arg7[%dma_wait3A_54, %dma_wait3A_55] : memref<112x128xf32, #tpu.memory_space<vmem>> -> memref<72x128xf32, #tpu.memory_space<vmem>>
      %dma_wait3A_57 = arith.constant 0 : i32
      %dma_wait3A_58 = tpu.memref_slice %arg9[%add3A_22, %dma_wait3A_57] : memref<10112x128xf32, #tpu.memory_space<vmem_shared>> -> memref<72x128xf32, #tpu.memory_space<vmem_shared>>
      %dma_wait3A_59 = arith.constant 0 : i32
      %dma_wait3A_60 = tpu.memref_slice %arg9[%add3A_22, %dma_wait3A_59] : memref<10112x128xf32, #tpu.memory_space<vmem_shared>> -> memref<72x128xf32, #tpu.memory_space<vmem_shared>>
      %dma_wait3A_61 = arith.constant 0 : i32
      %dma_wait3A_62 = arith.constant 0 : i32
      %dma_wait3A_63 = tpu.memref_slice %arg7[%dma_wait3A_61, %dma_wait3A_62] : memref<112x128xf32, #tpu.memory_space<vmem>> -> memref<72x128xf32, #tpu.memory_space<vmem>>
      tpu.wait_dma2 semaphore(%run_scoped3A : memref<!tpu.dma_semaphore, #tpu.memory_space<semaphore_mem>>) src(%dma_wait3A_63 : memref<72x128xf32, #tpu.memory_space<vmem>>) dst(%dma_wait3A_60 : memref<72x128xf32, #tpu.memory_space<vmem_shared>>)
      tpu.yield
    }) : () -> ()
    %lt3A = arith.constant 31 : i32
    %lt3A_23 = arith.cmpi slt, %add3A, %lt3A : i32
    %convert_element_type3A = arith.extui %lt3A_23 : i1 to i32
    %cond3A = arith.constant 0 : i32
    %cond3A_24 = arith.cmpi ne, %convert_element_type3A, %cond3A : i32
    scf.if %cond3A_24 {
      "tpu.region"() ({
        %run_scoped3A = tpu.sem_alloc : memref<!tpu.dma_semaphore, #tpu.memory_space<semaphore_mem>>
        %dma_start3A_46 = tpu.memref_slice %arg3[%mul3A_2] : memref<640000xi32, #tpu.memory_space<hbm>> -> memref<10080xi32, #tpu.memory_space<hbm>>
        %dma_start3A_47 = tpu.memref_slice %arg3[%mul3A_2] : memref<640000xi32, #tpu.memory_space<hbm>> -> memref<10080xi32, #tpu.memory_space<hbm>>
        tpu.enqueue_dma source(%dma_start3A_47 : memref<10080xi32, #tpu.memory_space<hbm>>) target(%arg5 : memref<10080xi32, #tpu.memory_space<vmem>>) target_semaphore(%run_scoped3A : memref<!tpu.dma_semaphore, #tpu.memory_space<semaphore_mem>>)
        %dma_wait3A_48 = tpu.memref_slice %arg3[%mul3A_2] : memref<640000xi32, #tpu.memory_space<hbm>> -> memref<10080xi32, #tpu.memory_space<hbm>>
        %dma_wait3A_49 = tpu.memref_slice %arg3[%mul3A_2] : memref<640000xi32, #tpu.memory_space<hbm>> -> memref<10080xi32, #tpu.memory_space<hbm>>
        tpu.wait_dma2 semaphore(%run_scoped3A : memref<!tpu.dma_semaphore, #tpu.memory_space<semaphore_mem>>) src(%dma_wait3A_49 : memref<10080xi32, #tpu.memory_space<hbm>>) dst(%arg5 : memref<10080xi32, #tpu.memory_space<vmem>>)
        tpu.yield
      }) : () -> ()
      %add3A_44 = arith.constant 320000 : i32
      %add3A_45 = arith.addi %add3A_44, %mul3A_2 : i32
      "tpu.region"() ({
        %run_scoped3A = tpu.sem_alloc : memref<!tpu.dma_semaphore, #tpu.memory_space<semaphore_mem>>
        %dma_start3A_46 = tpu.memref_slice %arg3[%add3A_45] : memref<640000xi32, #tpu.memory_space<hbm>> -> memref<10080xi32, #tpu.memory_space<hbm>>
        %dma_start3A_47 = tpu.memref_slice %arg3[%add3A_45] : memref<640000xi32, #tpu.memory_space<hbm>> -> memref<10080xi32, #tpu.memory_space<hbm>>
        tpu.enqueue_dma source(%dma_start3A_47 : memref<10080xi32, #tpu.memory_space<hbm>>) target(%arg6 : memref<10080xi32, #tpu.memory_space<vmem>>) target_semaphore(%run_scoped3A : memref<!tpu.dma_semaphore, #tpu.memory_space<semaphore_mem>>)
        %dma_wait3A_48 = tpu.memref_slice %arg3[%add3A_45] : memref<640000xi32, #tpu.memory_space<hbm>> -> memref<10080xi32, #tpu.memory_space<hbm>>
        %dma_wait3A_49 = tpu.memref_slice %arg3[%add3A_45] : memref<640000xi32, #tpu.memory_space<hbm>> -> memref<10080xi32, #tpu.memory_space<hbm>>
        tpu.wait_dma2 semaphore(%run_scoped3A : memref<!tpu.dma_semaphore, #tpu.memory_space<semaphore_mem>>) src(%dma_wait3A_49 : memref<10080xi32, #tpu.memory_space<hbm>>) dst(%arg6 : memref<10080xi32, #tpu.memory_space<vmem>>)
        tpu.yield
      }) : () -> ()
    } else {
    }
    %eq3A = arith.constant 31 : i32
    %eq3A_25 = arith.cmpi eq, %add3A, %eq3A : i32
    %convert_element_type3A_26 = arith.extui %eq3A_25 : i1 to i32
    %cond3A_27 = arith.constant 0 : i32
    %cond3A_28 = arith.cmpi ne, %convert_element_type3A_26, %cond3A_27 : i32
    scf.if %cond3A_28 {
      "tpu.region"() ({
        %run_scoped3A = tpu.sem_alloc : memref<!tpu.dma_semaphore, #tpu.memory_space<semaphore_mem>>
        %dma_start3A_52 = arith.constant 0 : i32
        %dma_start3A_53 = tpu.memref_slice %arg5[%dma_start3A_52] : memref<10080xi32, #tpu.memory_space<vmem>> -> memref<7520xi32, #tpu.memory_space<vmem>>
        %dma_start3A_54 = tpu.memref_slice %arg3[%mul3A_2] : memref<640000xi32, #tpu.memory_space<hbm>> -> memref<7520xi32, #tpu.memory_space<hbm>>
        %dma_start3A_55 = arith.constant 0 : i32
        %dma_start3A_56 = tpu.memref_slice %arg5[%dma_start3A_55] : memref<10080xi32, #tpu.memory_space<vmem>> -> memref<7520xi32, #tpu.memory_space<vmem>>
        %dma_start3A_57 = tpu.memref_slice %arg3[%mul3A_2] : memref<640000xi32, #tpu.memory_space<hbm>> -> memref<7520xi32, #tpu.memory_space<hbm>>
        tpu.enqueue_dma source(%dma_start3A_57 : memref<7520xi32, #tpu.memory_space<hbm>>) target(%dma_start3A_56 : memref<7520xi32, #tpu.memory_space<vmem>>) target_semaphore(%run_scoped3A : memref<!tpu.dma_semaphore, #tpu.memory_space<semaphore_mem>>)
        %dma_wait3A_58 = arith.constant 0 : i32
        %dma_wait3A_59 = tpu.memref_slice %arg5[%dma_wait3A_58] : memref<10080xi32, #tpu.memory_space<vmem>> -> memref<7520xi32, #tpu.memory_space<vmem>>
        %dma_wait3A_60 = tpu.memref_slice %arg3[%mul3A_2] : memref<640000xi32, #tpu.memory_space<hbm>> -> memref<7520xi32, #tpu.memory_space<hbm>>
        %dma_wait3A_61 = arith.constant 0 : i32
        %dma_wait3A_62 = tpu.memref_slice %arg5[%dma_wait3A_61] : memref<10080xi32, #tpu.memory_space<vmem>> -> memref<7520xi32, #tpu.memory_space<vmem>>
        %dma_wait3A_63 = tpu.memref_slice %arg3[%mul3A_2] : memref<640000xi32, #tpu.memory_space<hbm>> -> memref<7520xi32, #tpu.memory_space<hbm>>
        tpu.wait_dma2 semaphore(%run_scoped3A : memref<!tpu.dma_semaphore, #tpu.memory_space<semaphore_mem>>) src(%dma_wait3A_63 : memref<7520xi32, #tpu.memory_space<hbm>>) dst(%dma_wait3A_62 : memref<7520xi32, #tpu.memory_space<vmem>>)
        tpu.yield
      }) : () -> ()
      %add3A_44 = arith.constant 320000 : i32
      %add3A_45 = arith.addi %add3A_44, %mul3A_2 : i32
      "tpu.region"() ({
        %run_scoped3A = tpu.sem_alloc : memref<!tpu.dma_semaphore, #tpu.memory_space<semaphore_mem>>
        %dma_start3A_52 = arith.constant 0 : i32
        %dma_start3A_53 = tpu.memref_slice %arg6[%dma_start3A_52] : memref<10080xi32, #tpu.memory_space<vmem>> -> memref<7520xi32, #tpu.memory_space<vmem>>
        %dma_start3A_54 = tpu.memref_slice %arg3[%add3A_45] : memref<640000xi32, #tpu.memory_space<hbm>> -> memref<7520xi32, #tpu.memory_space<hbm>>
        %dma_start3A_55 = arith.constant 0 : i32
        %dma_start3A_56 = tpu.memref_slice %arg6[%dma_start3A_55] : memref<10080xi32, #tpu.memory_space<vmem>> -> memref<7520xi32, #tpu.memory_space<vmem>>
        %dma_start3A_57 = tpu.memref_slice %arg3[%add3A_45] : memref<640000xi32, #tpu.memory_space<hbm>> -> memref<7520xi32, #tpu.memory_space<hbm>>
        tpu.enqueue_dma source(%dma_start3A_57 : memref<7520xi32, #tpu.memory_space<hbm>>) target(%dma_start3A_56 : memref<7520xi32, #tpu.memory_space<vmem>>) target_semaphore(%run_scoped3A : memref<!tpu.dma_semaphore, #tpu.memory_space<semaphore_mem>>)
        %dma_wait3A_58 = arith.constant 0 : i32
        %dma_wait3A_59 = tpu.memref_slice %arg6[%dma_wait3A_58] : memref<10080xi32, #tpu.memory_space<vmem>> -> memref<7520xi32, #tpu.memory_space<vmem>>
        %dma_wait3A_60 = tpu.memref_slice %arg3[%add3A_45] : memref<640000xi32, #tpu.memory_space<hbm>> -> memref<7520xi32, #tpu.memory_space<hbm>>
        %dma_wait3A_61 = arith.constant 0 : i32
        %dma_wait3A_62 = tpu.memref_slice %arg6[%dma_wait3A_61] : memref<10080xi32, #tpu.memory_space<vmem>> -> memref<7520xi32, #tpu.memory_space<vmem>>
        %dma_wait3A_63 = tpu.memref_slice %arg3[%add3A_45] : memref<640000xi32, #tpu.memory_space<hbm>> -> memref<7520xi32, #tpu.memory_space<hbm>>
        tpu.wait_dma2 semaphore(%run_scoped3A : memref<!tpu.dma_semaphore, #tpu.memory_space<semaphore_mem>>) src(%dma_wait3A_63 : memref<7520xi32, #tpu.memory_space<hbm>>) dst(%dma_wait3A_62 : memref<7520xi32, #tpu.memory_space<vmem>>)
        tpu.yield
      }) : () -> ()
      %iota3A = tpu.iota {dimensions = array<i32: 0>} : vector<16xi32>
      %scan3A_46 = arith.constant 0 : i32
      %scan3A_47 = arith.constant 0 : i32
      %scan3A_48 = arith.constant 160 : i32
      %scan3A_49 = arith.addi %scan3A_47, %scan3A_48 : i32
      %scan3A_50 = arith.constant 1 : i32
      scf.for %scan3A_52 = %scan3A_47 to %scan3A_49 step %scan3A_50  : i32 {
        %mul3A_53 = arith.constant 16 : i32
        %mul3A_54 = arith.muli %scan3A_52, %mul3A_53 : i32
        %add3A_55 = arith.constant 7520 : i32
        %add3A_56 = arith.addi %add3A_55, %mul3A_54 : i32
        %mul3A_57 = arith.constant 16 : i32
        %mul3A_58 = arith.muli %scan3A_52, %mul3A_57 : i32
        %add3A_59 = vector.broadcast %mul3A_58 : i32 to vector<16xi32>
        %add3A_60 = arith.addi %iota3A, %add3A_59 : vector<16xi32>
        %swap3A = arith.index_cast %add3A_56 : i32 to index
        %swap3A_61 = tpu.vector_load %arg5[%swap3A] {strides = array<i32>} : memref<10080xi32, #tpu.memory_space<vmem>>, vector<16xi32>,
        %swap3A_62 = vector.shape_cast %swap3A_61 : vector<16xi32> to vector<16xi32>
        %swap3A_63 = vector.shape_cast %add3A_60 : vector<16xi32> to vector<16xi32>
        tpu.vector_store %arg5[%swap3A], %swap3A_63 {strides = array<i32>} : memref<10080xi32, #tpu.memory_space<vmem>>, vector<16xi32>,
        %jit3A = arith.constant 7 : i32
        %eq3A_64 = arith.constant 0 : i32
        %eq3A_65 = arith.cmpi eq, %jit3A, %eq3A_64 : i32
        %jit3A_66 = arith.constant 1 : i32
        %select_n3A = arith.select %eq3A_65, %jit3A_66, %jit3A : i32
        %rem3A = arith.remsi %scan3A_52, %select_n3A : i32
        %ne3A = arith.constant 0 : i32
        %ne3A_67 = arith.cmpi ne, %rem3A, %ne3A : i32
        %lt3A_68 = arith.constant 0 : i32
        %lt3A_69 = arith.cmpi slt, %rem3A, %lt3A_68 : i32
        %lt3A_70 = arith.constant 0 : i32
        %lt3A_71 = arith.cmpi slt, %select_n3A, %lt3A_70 : i32
        %ne3A_72 = arith.xori %lt3A_69, %lt3A_71 : i1
        %and3A = arith.andi %ne3A_72, %ne3A_67 : i1
        %add3A_73 = arith.addi %rem3A, %select_n3A : i32
        %select_n3A_74 = arith.select %and3A, %add3A_73, %rem3A : i32
        %mul3A_75 = arith.constant 16 : i32
        %mul3A_76 = arith.muli %select_n3A_74, %mul3A_75 : i32
        %add3A_77 = vector.broadcast %mul3A_76 : i32 to vector<16xi32>
        %add3A_78 = arith.addi %iota3A, %add3A_77 : vector<16xi32>
        %add3A_79 = arith.constant 10000 : i32
        %add3A_80 = vector.broadcast %add3A_79 : i32 to vector<16xi32>
        %add3A_81 = arith.addi %add3A_78, %add3A_80 : vector<16xi32>
        %swap3A_82 = arith.index_cast %add3A_56 : i32 to index
        %swap3A_83 = tpu.vector_load %arg6[%swap3A_82] {strides = array<i32>} : memref<10080xi32, #tpu.memory_space<vmem>>, vector<16xi32>,
        %swap3A_84 = vector.shape_cast %swap3A_83 : vector<16xi32> to vector<16xi32>
        %swap3A_85 = vector.shape_cast %add3A_81 : vector<16xi32> to vector<16xi32>
        tpu.vector_store %arg6[%swap3A_82], %swap3A_85 {strides = array<i32>} : memref<10080xi32, #tpu.memory_space<vmem>>, vector<16xi32>,
      }
      %scan3A_51 = arith.constant 160 : i32
    } else {
    }
    %barrier3A = arith.constant 0 : index
    tpu.barrier barrier_id(%barrier3A)
    %dma_start3A = arith.constant 0 : i32
    %dma_start3A_29 = tpu.memref_slice %arg5[%dma_start3A] : memref<10080xi32, #tpu.memory_space<vmem>> -> memref<112xi32, #tpu.memory_space<vmem>>
    %dma_start3A_30 = arith.constant 0 : i32
    %dma_start3A_31 = arith.constant 0 : i32
    %dma_start3A_32 = tpu.memref_slice %arg2[%dma_start3A_30, %dma_start3A_31] : memref<20000x128xf32, #tpu.memory_space<hbm>> -> memref<20000x128xf32, #tpu.memory_space<hbm>>
    tpu.enqueue_indirect_dma source(%dma_start3A_32 : memref<20000x128xf32, #tpu.memory_space<hbm>>) target(%arg7 : memref<112x128xf32, #tpu.memory_space<vmem>>) offsets(%dma_start3A_29 : memref<112xi32, #tpu.memory_space<vmem>>) semaphore(%arg10 : memref<!tpu.dma_semaphore, #tpu.memory_space<semaphore_mem>>)
    %scan3A_33 = arith.constant 0 : i32
    %scan3A_34 = arith.constant 0 : i32
    %scan3A_35 = arith.constant 45 : i32
    %scan3A_36 = arith.addi %scan3A_34, %scan3A_35 : i32
    %scan3A_37 = arith.constant 1 : i32
    scf.for %scan3A_44 = %scan3A_34 to %scan3A_36 step %scan3A_37  : i32 {
      %mul3A_45 = arith.constant 2 : i32
      %mul3A_46 = arith.muli %scan3A_44, %mul3A_45 : i32
      %add3A_47 = arith.constant 0 : i32
      %add3A_48 = arith.addi %mul3A_46, %add3A_47 : i32
      %add3A_49 = arith.constant 2 : i32
      %add3A_50 = arith.addi %add3A_48, %add3A_49 : i32
      %sub3A = arith.constant 1 : i32
      %sub3A_51 = arith.subi %add3A_50, %sub3A : i32
      %gt3A = arith.constant 0 : i32
      %gt3A_52 = arith.cmpi sgt, %scan3A_44, %gt3A : i32
      %convert_element_type3A_53 = arith.extui %gt3A_52 : i1 to i32
      %cond3A_54 = arith.constant 0 : i32
      %cond3A_55 = arith.cmpi ne, %convert_element_type3A_53, %cond3A_54 : i32
      scf.if %cond3A_55 {
        %sub3A_106 = arith.constant 1 : i32
        %sub3A_107 = arith.subi %add3A_48, %sub3A_106 : i32
        %mul3A_108 = arith.constant 112 : i32
        %mul3A_109 = arith.muli %sub3A_107, %mul3A_108 : i32
        %dma_wait3A_110 = tpu.memref_slice %arg6[%mul3A_109] : memref<10080xi32, #tpu.memory_space<vmem>> -> memref<112xi32, #tpu.memory_space<vmem>>
        %dma_wait3A_111 = arith.constant 0 : i32
        %dma_wait3A_112 = arith.constant 0 : i32
        %dma_wait3A_113 = tpu.memref_slice %arg9[%dma_wait3A_111, %dma_wait3A_112] : memref<10112x128xf32, #tpu.memory_space<vmem_shared>> -> memref<10112x128xf32, #tpu.memory_space<vmem_shared>>
        tpu.wait_indirect_dma semaphore(%arg13 : memref<!tpu.dma_semaphore, #tpu.memory_space<semaphore_mem>>) src(%arg8 : memref<112x128xf32, #tpu.memory_space<vmem>>) dst(%dma_wait3A_113 : memref<10112x128xf32, #tpu.memory_space<vmem_shared>>)
      } else {
      }
      %lt3A_56 = arith.constant 90 : i32
      %lt3A_57 = arith.cmpi slt, %sub3A_51, %lt3A_56 : i32
      %convert_element_type3A_58 = arith.extui %lt3A_57 : i1 to i32
      %cond3A_59 = arith.constant 0 : i32
      %cond3A_60 = arith.cmpi ne, %convert_element_type3A_58, %cond3A_59 : i32
      scf.if %cond3A_60 {
        %mul3A_106 = arith.constant 112 : i32
        %mul3A_107 = arith.muli %sub3A_51, %mul3A_106 : i32
        %dma_start3A_108 = tpu.memref_slice %arg5[%mul3A_107] : memref<10080xi32, #tpu.memory_space<vmem>> -> memref<112xi32, #tpu.memory_space<vmem>>
        %dma_start3A_109 = arith.constant 0 : i32
        %dma_start3A_110 = arith.constant 0 : i32
        %dma_start3A_111 = tpu.memref_slice %arg2[%dma_start3A_109, %dma_start3A_110] : memref<20000x128xf32, #tpu.memory_space<hbm>> -> memref<20000x128xf32, #tpu.memory_space<hbm>>
        tpu.enqueue_indirect_dma source(%dma_start3A_111 : memref<20000x128xf32, #tpu.memory_space<hbm>>) target(%arg8 : memref<112x128xf32, #tpu.memory_space<vmem>>) offsets(%dma_start3A_108 : memref<112xi32, #tpu.memory_space<vmem>>) semaphore(%arg11 : memref<!tpu.dma_semaphore, #tpu.memory_space<semaphore_mem>>)
      } else {
      }
      %mul3A_61 = arith.constant 112 : i32
      %mul3A_62 = arith.muli %add3A_48, %mul3A_61 : i32
      %dma_wait3A_63 = tpu.memref_slice %arg5[%mul3A_62] : memref<10080xi32, #tpu.memory_space<vmem>> -> memref<112xi32, #tpu.memory_space<vmem>>
      %dma_wait3A_64 = arith.constant 0 : i32
      %dma_wait3A_65 = arith.constant 0 : i32
      %dma_wait3A_66 = tpu.memref_slice %arg2[%dma_wait3A_64, %dma_wait3A_65] : memref<20000x128xf32, #tpu.memory_space<hbm>> -> memref<20000x128xf32, #tpu.memory_space<hbm>>
      tpu.wait_indirect_dma semaphore(%arg10 : memref<!tpu.dma_semaphore, #tpu.memory_space<semaphore_mem>>) src(%dma_wait3A_66 : memref<20000x128xf32, #tpu.memory_space<hbm>>) dst(%arg7 : memref<112x128xf32, #tpu.memory_space<vmem>>)
      %mul3A_67 = arith.constant 112 : i32
      %mul3A_68 = arith.muli %add3A_48, %mul3A_67 : i32
      %dma_start3A_69 = tpu.memref_slice %arg6[%mul3A_68] : memref<10080xi32, #tpu.memory_space<vmem>> -> memref<112xi32, #tpu.memory_space<vmem>>
      %dma_start3A_70 = arith.constant 0 : i32
      %dma_start3A_71 = arith.constant 0 : i32
      %dma_start3A_72 = tpu.memref_slice %arg9[%dma_start3A_70, %dma_start3A_71] : memref<10112x128xf32, #tpu.memory_space<vmem_shared>> -> memref<10112x128xf32, #tpu.memory_space<vmem_shared>>
      tpu.enqueue_indirect_dma source(%arg7 : memref<112x128xf32, #tpu.memory_space<vmem>>) target(%dma_start3A_72 : memref<10112x128xf32, #tpu.memory_space<vmem_shared>>) offsets(%dma_start3A_69 : memref<112xi32, #tpu.memory_space<vmem>>) semaphore(%arg12 : memref<!tpu.dma_semaphore, #tpu.memory_space<semaphore_mem>>) {add = true}
      %mul3A_73 = arith.constant 2 : i32
      %mul3A_74 = arith.muli %scan3A_44, %mul3A_73 : i32
      %add3A_75 = arith.constant 1 : i32
      %add3A_76 = arith.addi %mul3A_74, %add3A_75 : i32
      %add3A_77 = arith.constant 2 : i32
      %add3A_78 = arith.addi %add3A_76, %add3A_77 : i32
      %sub3A_79 = arith.constant 1 : i32
      %sub3A_80 = arith.subi %add3A_78, %sub3A_79 : i32
      %sub3A_81 = arith.constant 1 : i32
      %sub3A_82 = arith.subi %add3A_76, %sub3A_81 : i32
      %mul3A_83 = arith.constant 112 : i32
      %mul3A_84 = arith.muli %sub3A_82, %mul3A_83 : i32
      %dma_wait3A_85 = tpu.memref_slice %arg6[%mul3A_84] : memref<10080xi32, #tpu.memory_space<vmem>> -> memref<112xi32, #tpu.memory_space<vmem>>
      %dma_wait3A_86 = arith.constant 0 : i32
      %dma_wait3A_87 = arith.constant 0 : i32
      %dma_wait3A_88 = tpu.memref_slice %arg9[%dma_wait3A_86, %dma_wait3A_87] : memref<10112x128xf32, #tpu.memory_space<vmem_shared>> -> memref<10112x128xf32, #tpu.memory_space<vmem_shared>>
      tpu.wait_indirect_dma semaphore(%arg12 : memref<!tpu.dma_semaphore, #tpu.memory_space<semaphore_mem>>) src(%arg7 : memref<112x128xf32, #tpu.memory_space<vmem>>) dst(%dma_wait3A_88 : memref<10112x128xf32, #tpu.memory_space<vmem_shared>>)
      %lt3A_89 = arith.constant 90 : i32
      %lt3A_90 = arith.cmpi slt, %sub3A_80, %lt3A_89 : i32
      %convert_element_type3A_91 = arith.extui %lt3A_90 : i1 to i32
      %cond3A_92 = arith.constant 0 : i32
      %cond3A_93 = arith.cmpi ne, %convert_element_type3A_91, %cond3A_92 : i32
      scf.if %cond3A_93 {
        %mul3A_106 = arith.constant 112 : i32
        %mul3A_107 = arith.muli %sub3A_80, %mul3A_106 : i32
        %dma_start3A_108 = tpu.memref_slice %arg5[%mul3A_107] : memref<10080xi32, #tpu.memory_space<vmem>> -> memref<112xi32, #tpu.memory_space<vmem>>
        %dma_start3A_109 = arith.constant 0 : i32
        %dma_start3A_110 = arith.constant 0 : i32
        %dma_start3A_111 = tpu.memref_slice %arg2[%dma_start3A_109, %dma_start3A_110] : memref<20000x128xf32, #tpu.memory_space<hbm>> -> memref<20000x128xf32, #tpu.memory_space<hbm>>
        tpu.enqueue_indirect_dma source(%dma_start3A_111 : memref<20000x128xf32, #tpu.memory_space<hbm>>) target(%arg7 : memref<112x128xf32, #tpu.memory_space<vmem>>) offsets(%dma_start3A_108 : memref<112xi32, #tpu.memory_space<vmem>>) semaphore(%arg10 : memref<!tpu.dma_semaphore, #tpu.memory_space<semaphore_mem>>)
      } else {
      }
      %mul3A_94 = arith.constant 112 : i32
      %mul3A_95 = arith.muli %add3A_76, %mul3A_94 : i32
      %dma_wait3A_96 = tpu.memref_slice %arg5[%mul3A_95] : memref<10080xi32, #tpu.memory_space<vmem>> -> memref<112xi32, #tpu.memory_space<vmem>>
      %dma_wait3A_97 = arith.constant 0 : i32
      %dma_wait3A_98 = arith.constant 0 : i32
      %dma_wait3A_99 = tpu.memref_slice %arg2[%dma_wait3A_97, %dma_wait3A_98] : memref<20000x128xf32, #tpu.memory_space<hbm>> -> memref<20000x128xf32, #tpu.memory_space<hbm>>
      tpu.wait_indirect_dma semaphore(%arg11 : memref<!tpu.dma_semaphore, #tpu.memory_space<semaphore_mem>>) src(%dma_wait3A_99 : memref<20000x128xf32, #tpu.memory_space<hbm>>) dst(%arg8 : memref<112x128xf32, #tpu.memory_space<vmem>>)
      %mul3A_100 = arith.constant 112 : i32
      %mul3A_101 = arith.muli %add3A_76, %mul3A_100 : i32
      %dma_start3A_102 = tpu.memref_slice %arg6[%mul3A_101] : memref<10080xi32, #tpu.memory_space<vmem>> -> memref<112xi32, #tpu.memory_space<vmem>>
      %dma_start3A_103 = arith.constant 0 : i32
      %dma_start3A_104 = arith.constant 0 : i32
      %dma_start3A_105 = tpu.memref_slice %arg9[%dma_start3A_103, %dma_start3A_104] : memref<10112x128xf32, #tpu.memory_space<vmem_shared>> -> memref<10112x128xf32, #tpu.memory_space<vmem_shared>>
      tpu.enqueue_indirect_dma source(%arg8 : memref<112x128xf32, #tpu.memory_space<vmem>>) target(%dma_start3A_105 : memref<10112x128xf32, #tpu.memory_space<vmem_shared>>) offsets(%dma_start3A_102 : memref<112xi32, #tpu.memory_space<vmem>>) semaphore(%arg13 : memref<!tpu.dma_semaphore, #tpu.memory_space<semaphore_mem>>) {add = true}
    }
    %scan3A_38 = arith.constant 45 : i32
    %dma_wait3A = arith.constant 9968 : i32
    %dma_wait3A_39 = tpu.memref_slice %arg6[%dma_wait3A] : memref<10080xi32, #tpu.memory_space<vmem>> -> memref<112xi32, #tpu.memory_space<vmem>>
    %dma_wait3A_40 = arith.constant 0 : i32
    %dma_wait3A_41 = arith.constant 0 : i32
    %dma_wait3A_42 = tpu.memref_slice %arg9[%dma_wait3A_40, %dma_wait3A_41] : memref<10112x128xf32, #tpu.memory_space<vmem_shared>> -> memref<10112x128xf32, #tpu.memory_space<vmem_shared>>
    tpu.wait_indirect_dma semaphore(%arg13 : memref<!tpu.dma_semaphore, #tpu.memory_space<semaphore_mem>>) src(%arg8 : memref<112x128xf32, #tpu.memory_space<vmem>>) dst(%dma_wait3A_42 : memref<10112x128xf32, #tpu.memory_space<vmem_shared>>)
    %barrier3A_43 = arith.constant 0 : index
    tpu.barrier barrier_id(%barrier3A_43)
    "tpu.region"() ({
      %run_scoped3A = tpu.sem_alloc : memref<!tpu.dma_semaphore, #tpu.memory_space<semaphore_mem>>
      %dma_start3A_44 = arith.constant 0 : i32
      %dma_start3A_45 = tpu.memref_slice %arg4[%arg0, %mul3A_10, %dma_start3A_44] : memref<2x10112x128xf32, #tpu.memory_space<hbm>> -> memref<1x632x128xf32, #tpu.memory_space<hbm>>
      %dma_start3A_46 = tpu.memref_squeeze %dma_start3A_45 : memref<1x632x128xf32, #tpu.memory_space<hbm>> -> memref<632x128xf32, #tpu.memory_space<hbm>>
      %dma_start3A_47 = arith.constant 0 : i32
      %dma_start3A_48 = tpu.memref_slice %arg9[%mul3A_10, %dma_start3A_47] : memref<10112x128xf32, #tpu.memory_space<vmem_shared>> -> memref<632x128xf32, #tpu.memory_space<vmem_shared>>
      tpu.enqueue_dma source(%dma_start3A_48 : memref<632x128xf32, #tpu.memory_space<vmem_shared>>) target(%dma_start3A_46 : memref<632x128xf32, #tpu.memory_space<hbm>>) target_semaphore(%run_scoped3A : memref<!tpu.dma_semaphore, #tpu.memory_space<semaphore_mem>>)
      %dma_wait3A_49 = arith.constant 0 : i32
      %dma_wait3A_50 = tpu.memref_slice %arg4[%arg0, %mul3A_10, %dma_wait3A_49] : memref<2x10112x128xf32, #tpu.memory_space<hbm>> -> memref<1x632x128xf32, #tpu.memory_space<hbm>>
      %dma_wait3A_51 = tpu.memref_squeeze %dma_wait3A_50 : memref<1x632x128xf32, #tpu.memory_space<hbm>> -> memref<632x128xf32, #tpu.memory_space<hbm>>
      %dma_wait3A_52 = arith.constant 0 : i32
      %dma_wait3A_53 = tpu.memref_slice %arg9[%mul3A_10, %dma_wait3A_52] : memref<10112x128xf32, #tpu.memory_space<vmem_shared>> -> memref<632x128xf32, #tpu.memory_space<vmem_shared>>
      tpu.wait_dma2 semaphore(%run_scoped3A : memref<!tpu.dma_semaphore, #tpu.memory_space<semaphore_mem>>) src(%dma_wait3A_53 : memref<632x128xf32, #tpu.memory_space<vmem_shared>>) dst(%dma_wait3A_51 : memref<632x128xf32, #tpu.memory_space<hbm>>)
      tpu.yield
    }) : () -> ()
    return
  }
}

#map = affine_map<(d0, d1) -> (0, 0)>
#map1 = affine_map<(d0, d1) -> (0)>
#map2 = affine_map<(d0, d1) -> (0, 0, 0)>
module attributes {stable_mosaic.version = 14 : i64} {
  func.func @_sc_agg_body(%arg0: i32, %arg1: i32, %arg2: memref<20000x128xf32, #tpu.memory_space<hbm>>, %arg3: memref<640000xi32, #tpu.memory_space<hbm>>, %arg4: memref<2x10112x128xf32, #tpu.memory_space<hbm>>, %arg5: memref<10080xi32, #tpu.memory_space<vmem>>, %arg6: memref<10080xi32, #tpu.memory_space<vmem>>, %arg7: memref<112x128xf32, #tpu.memory_space<vmem>>, %arg8: memref<112x128xf32, #tpu.memory_space<vmem>>, %arg9: memref<10112x128xf32, #tpu.memory_space<vmem_shared>>, %arg10: memref<!tpu.dma_semaphore, #tpu.memory_space<semaphore_mem>>, %arg11: memref<!tpu.dma_semaphore, #tpu.memory_space<semaphore_mem>>, %arg12: memref<!tpu.dma_semaphore, #tpu.memory_space<semaphore_mem>>, %arg13: memref<!tpu.dma_semaphore, #tpu.memory_space<semaphore_mem>>) attributes {dimension_semantics = [#tpu.dimension_semantics<core_parallel>, #tpu.dimension_semantics<subcore_parallel>], iteration_bounds = array<i64: 2, 16>, scalar_prefetch = 0 : i64, scratch_operands = 9 : i64, tpu.core_type = #tpu.core_type<sc_vector_subcore>, window_params = [{transform_indices = #map}, {transform_indices = #map1}, {transform_indices = #map2}]} {
    %mul3A = arith.constant 16 : i32
    %mul3A_0 = arith.muli %arg0, %mul3A : i32
    %add3A = arith.addi %mul3A_0, %arg1 : i32
    %mul3A_1 = arith.constant 10080 : i32
    %mul3A_2 = arith.muli %add3A, %mul3A_1 : i32
    %broadcast_in_dim3A = arith.constant 0.000000e+00 : f32
    %broadcast_in_dim3A_3 = vector.broadcast %broadcast_in_dim3A : f32 to vector<16xf32>
    %scan3A = arith.constant 0 : i32
    %scan3A_4 = arith.constant 0 : i32
    %scan3A_5 = arith.constant 112 : i32
    %scan3A_6 = arith.addi %scan3A_4, %scan3A_5 : i32
    %scan3A_7 = arith.constant 1 : i32
    scf.for %scan3A_44 = %scan3A_4 to %scan3A_6 step %scan3A_7  : i32 {
      %swap3A = arith.index_cast %scan3A_44 : i32 to index
      %swap3A_45 = arith.constant 0 : index
      %swap3A_46 = tpu.vector_load %arg7[%swap3A, %swap3A_45] {strides = array<i32>} : memref<112x128xf32, #tpu.memory_space<vmem>>, vector<1x16xf32>,
      %swap3A_47 = vector.shape_cast %swap3A_46 : vector<1x16xf32> to vector<16xf32>
      %swap3A_48 = vector.shape_cast %broadcast_in_dim3A_3 : vector<16xf32> to vector<1x16xf32>
      tpu.vector_store %arg7[%swap3A, %swap3A_45], %swap3A_48 {strides = array<i32>} : memref<112x128xf32, #tpu.memory_space<vmem>>, vector<1x16xf32>,
      %swap3A_49 = arith.index_cast %scan3A_44 : i32 to index
      %swap3A_50 = arith.constant 16 : index
      %swap3A_51 = tpu.vector_load %arg7[%swap3A_49, %swap3A_50] {strides = array<i32>} : memref<112x128xf32, #tpu.memory_space<vmem>>, vector<1x16xf32>,
      %swap3A_52 = vector.shape_cast %swap3A_51 : vector<1x16xf32> to vector<16xf32>
      %swap3A_53 = vector.shape_cast %broadcast_in_dim3A_3 : vector<16xf32> to vector<1x16xf32>
      tpu.vector_store %arg7[%swap3A_49, %swap3A_50], %swap3A_53 {strides = array<i32>} : memref<112x128xf32, #tpu.memory_space<vmem>>, vector<1x16xf32>,
      %swap3A_54 = arith.index_cast %scan3A_44 : i32 to index
      %swap3A_55 = arith.constant 32 : index
      %swap3A_56 = tpu.vector_load %arg7[%swap3A_54, %swap3A_55] {strides = array<i32>} : memref<112x128xf32, #tpu.memory_space<vmem>>, vector<1x16xf32>,
      %swap3A_57 = vector.shape_cast %swap3A_56 : vector<1x16xf32> to vector<16xf32>
      %swap3A_58 = vector.shape_cast %broadcast_in_dim3A_3 : vector<16xf32> to vector<1x16xf32>
      tpu.vector_store %arg7[%swap3A_54, %swap3A_55], %swap3A_58 {strides = array<i32>} : memref<112x128xf32, #tpu.memory_space<vmem>>, vector<1x16xf32>,
      %swap3A_59 = arith.index_cast %scan3A_44 : i32 to index
      %swap3A_60 = arith.constant 48 : index
      %swap3A_61 = tpu.vector_load %arg7[%swap3A_59, %swap3A_60] {strides = array<i32>} : memref<112x128xf32, #tpu.memory_space<vmem>>, vector<1x16xf32>,
      %swap3A_62 = vector.shape_cast %swap3A_61 : vector<1x16xf32> to vector<16xf32>
      %swap3A_63 = vector.shape_cast %broadcast_in_dim3A_3 : vector<16xf32> to vector<1x16xf32>
      tpu.vector_store %arg7[%swap3A_59, %swap3A_60], %swap3A_63 {strides = array<i32>} : memref<112x128xf32, #tpu.memory_space<vmem>>, vector<1x16xf32>,
      %swap3A_64 = arith.index_cast %scan3A_44 : i32 to index
      %swap3A_65 = arith.constant 64 : index
      %swap3A_66 = tpu.vector_load %arg7[%swap3A_64, %swap3A_65] {strides = array<i32>} : memref<112x128xf32, #tpu.memory_space<vmem>>, vector<1x16xf32>,
      %swap3A_67 = vector.shape_cast %swap3A_66 : vector<1x16xf32> to vector<16xf32>
      %swap3A_68 = vector.shape_cast %broadcast_in_dim3A_3 : vector<16xf32> to vector<1x16xf32>
      tpu.vector_store %arg7[%swap3A_64, %swap3A_65], %swap3A_68 {strides = array<i32>} : memref<112x128xf32, #tpu.memory_space<vmem>>, vector<1x16xf32>,
      %swap3A_69 = arith.index_cast %scan3A_44 : i32 to index
      %swap3A_70 = arith.constant 80 : index
      %swap3A_71 = tpu.vector_load %arg7[%swap3A_69, %swap3A_70] {strides = array<i32>} : memref<112x128xf32, #tpu.memory_space<vmem>>, vector<1x16xf32>,
      %swap3A_72 = vector.shape_cast %swap3A_71 : vector<1x16xf32> to vector<16xf32>
      %swap3A_73 = vector.shape_cast %broadcast_in_dim3A_3 : vector<16xf32> to vector<1x16xf32>
      tpu.vector_store %arg7[%swap3A_69, %swap3A_70], %swap3A_73 {strides = array<i32>} : memref<112x128xf32, #tpu.memory_space<vmem>>, vector<1x16xf32>,
      %swap3A_74 = arith.index_cast %scan3A_44 : i32 to index
      %swap3A_75 = arith.constant 96 : index
      %swap3A_76 = tpu.vector_load %arg7[%swap3A_74, %swap3A_75] {strides = array<i32>} : memref<112x128xf32, #tpu.memory_space<vmem>>, vector<1x16xf32>,
      %swap3A_77 = vector.shape_cast %swap3A_76 : vector<1x16xf32> to vector<16xf32>
      %swap3A_78 = vector.shape_cast %broadcast_in_dim3A_3 : vector<16xf32> to vector<1x16xf32>
      tpu.vector_store %arg7[%swap3A_74, %swap3A_75], %swap3A_78 {strides = array<i32>} : memref<112x128xf32, #tpu.memory_space<vmem>>, vector<1x16xf32>,
      %swap3A_79 = arith.index_cast %scan3A_44 : i32 to index
      %swap3A_80 = arith.constant 112 : index
      %swap3A_81 = tpu.vector_load %arg7[%swap3A_79, %swap3A_80] {strides = array<i32>} : memref<112x128xf32, #tpu.memory_space<vmem>>, vector<1x16xf32>,
      %swap3A_82 = vector.shape_cast %swap3A_81 : vector<1x16xf32> to vector<16xf32>
      %swap3A_83 = vector.shape_cast %broadcast_in_dim3A_3 : vector<16xf32> to vector<1x16xf32>
      tpu.vector_store %arg7[%swap3A_79, %swap3A_80], %swap3A_83 {strides = array<i32>} : memref<112x128xf32, #tpu.memory_space<vmem>>, vector<1x16xf32>,
    }
    %scan3A_8 = arith.constant 112 : i32
    %mul3A_9 = arith.constant 632 : i32
    %mul3A_10 = arith.muli %arg1, %mul3A_9 : i32
    %add3A_11 = arith.constant 0 : i32
    %add3A_12 = arith.addi %mul3A_10, %add3A_11 : i32
    "tpu.region"() ({
      %run_scoped3A = tpu.sem_alloc : memref<!tpu.dma_semaphore, #tpu.memory_space<semaphore_mem>>
      %dma_start3A_44 = arith.constant 0 : i32
      %dma_start3A_45 = tpu.memref_slice %arg9[%add3A_12, %dma_start3A_44] : memref<10112x128xf32, #tpu.memory_space<vmem_shared>> -> memref<112x128xf32, #tpu.memory_space<vmem_shared>>
      %dma_start3A_46 = arith.constant 0 : i32
      %dma_start3A_47 = tpu.memref_slice %arg9[%add3A_12, %dma_start3A_46] : memref<10112x128xf32, #tpu.memory_space<vmem_shared>> -> memref<112x128xf32, #tpu.memory_space<vmem_shared>>
      tpu.enqueue_dma source(%arg7 : memref<112x128xf32, #tpu.memory_space<vmem>>) target(%dma_start3A_47 : memref<112x128xf32, #tpu.memory_space<vmem_shared>>) target_semaphore(%run_scoped3A : memref<!tpu.dma_semaphore, #tpu.memory_space<semaphore_mem>>)
      %dma_wait3A_48 = arith.constant 0 : i32
      %dma_wait3A_49 = tpu.memref_slice %arg9[%add3A_12, %dma_wait3A_48] : memref<10112x128xf32, #tpu.memory_space<vmem_shared>> -> memref<112x128xf32, #tpu.memory_space<vmem_shared>>
      %dma_wait3A_50 = arith.constant 0 : i32
      %dma_wait3A_51 = tpu.memref_slice %arg9[%add3A_12, %dma_wait3A_50] : memref<10112x128xf32, #tpu.memory_space<vmem_shared>> -> memref<112x128xf32, #tpu.memory_space<vmem_shared>>
      tpu.wait_dma2 semaphore(%run_scoped3A : memref<!tpu.dma_semaphore, #tpu.memory_space<semaphore_mem>>) src(%arg7 : memref<112x128xf32, #tpu.memory_space<vmem>>) dst(%dma_wait3A_51 : memref<112x128xf32, #tpu.memory_space<vmem_shared>>)
      tpu.yield
    }) : () -> ()
    %add3A_13 = arith.constant 112 : i32
    %add3A_14 = arith.addi %mul3A_10, %add3A_13 : i32
    "tpu.region"() ({
      %run_scoped3A = tpu.sem_alloc : memref<!tpu.dma_semaphore, #tpu.memory_space<semaphore_mem>>
      %dma_start3A_44 = arith.constant 0 : i32
      %dma_start3A_45 = tpu.memref_slice %arg9[%add3A_14, %dma_start3A_44] : memref<10112x128xf32, #tpu.memory_space<vmem_shared>> -> memref<112x128xf32, #tpu.memory_space<vmem_shared>>
      %dma_start3A_46 = arith.constant 0 : i32
      %dma_start3A_47 = tpu.memref_slice %arg9[%add3A_14, %dma_start3A_46] : memref<10112x128xf32, #tpu.memory_space<vmem_shared>> -> memref<112x128xf32, #tpu.memory_space<vmem_shared>>
      tpu.enqueue_dma source(%arg7 : memref<112x128xf32, #tpu.memory_space<vmem>>) target(%dma_start3A_47 : memref<112x128xf32, #tpu.memory_space<vmem_shared>>) target_semaphore(%run_scoped3A : memref<!tpu.dma_semaphore, #tpu.memory_space<semaphore_mem>>)
      %dma_wait3A_48 = arith.constant 0 : i32
      %dma_wait3A_49 = tpu.memref_slice %arg9[%add3A_14, %dma_wait3A_48] : memref<10112x128xf32, #tpu.memory_space<vmem_shared>> -> memref<112x128xf32, #tpu.memory_space<vmem_shared>>
      %dma_wait3A_50 = arith.constant 0 : i32
      %dma_wait3A_51 = tpu.memref_slice %arg9[%add3A_14, %dma_wait3A_50] : memref<10112x128xf32, #tpu.memory_space<vmem_shared>> -> memref<112x128xf32, #tpu.memory_space<vmem_shared>>
      tpu.wait_dma2 semaphore(%run_scoped3A : memref<!tpu.dma_semaphore, #tpu.memory_space<semaphore_mem>>) src(%arg7 : memref<112x128xf32, #tpu.memory_space<vmem>>) dst(%dma_wait3A_51 : memref<112x128xf32, #tpu.memory_space<vmem_shared>>)
      tpu.yield
    }) : () -> ()
    %add3A_15 = arith.constant 224 : i32
    %add3A_16 = arith.addi %mul3A_10, %add3A_15 : i32
    "tpu.region"() ({
      %run_scoped3A = tpu.sem_alloc : memref<!tpu.dma_semaphore, #tpu.memory_space<semaphore_mem>>
      %dma_start3A_44 = arith.constant 0 : i32
      %dma_start3A_45 = tpu.memref_slice %arg9[%add3A_16, %dma_start3A_44] : memref<10112x128xf32, #tpu.memory_space<vmem_shared>> -> memref<112x128xf32, #tpu.memory_space<vmem_shared>>
      %dma_start3A_46 = arith.constant 0 : i32
      %dma_start3A_47 = tpu.memref_slice %arg9[%add3A_16, %dma_start3A_46] : memref<10112x128xf32, #tpu.memory_space<vmem_shared>> -> memref<112x128xf32, #tpu.memory_space<vmem_shared>>
      tpu.enqueue_dma source(%arg7 : memref<112x128xf32, #tpu.memory_space<vmem>>) target(%dma_start3A_47 : memref<112x128xf32, #tpu.memory_space<vmem_shared>>) target_semaphore(%run_scoped3A : memref<!tpu.dma_semaphore, #tpu.memory_space<semaphore_mem>>)
      %dma_wait3A_48 = arith.constant 0 : i32
      %dma_wait3A_49 = tpu.memref_slice %arg9[%add3A_16, %dma_wait3A_48] : memref<10112x128xf32, #tpu.memory_space<vmem_shared>> -> memref<112x128xf32, #tpu.memory_space<vmem_shared>>
      %dma_wait3A_50 = arith.constant 0 : i32
      %dma_wait3A_51 = tpu.memref_slice %arg9[%add3A_16, %dma_wait3A_50] : memref<10112x128xf32, #tpu.memory_space<vmem_shared>> -> memref<112x128xf32, #tpu.memory_space<vmem_shared>>
      tpu.wait_dma2 semaphore(%run_scoped3A : memref<!tpu.dma_semaphore, #tpu.memory_space<semaphore_mem>>) src(%arg7 : memref<112x128xf32, #tpu.memory_space<vmem>>) dst(%dma_wait3A_51 : memref<112x128xf32, #tpu.memory_space<vmem_shared>>)
      tpu.yield
    }) : () -> ()
    %add3A_17 = arith.constant 336 : i32
    %add3A_18 = arith.addi %mul3A_10, %add3A_17 : i32
    "tpu.region"() ({
      %run_scoped3A = tpu.sem_alloc : memref<!tpu.dma_semaphore, #tpu.memory_space<semaphore_mem>>
      %dma_start3A_44 = arith.constant 0 : i32
      %dma_start3A_45 = tpu.memref_slice %arg9[%add3A_18, %dma_start3A_44] : memref<10112x128xf32, #tpu.memory_space<vmem_shared>> -> memref<112x128xf32, #tpu.memory_space<vmem_shared>>
      %dma_start3A_46 = arith.constant 0 : i32
      %dma_start3A_47 = tpu.memref_slice %arg9[%add3A_18, %dma_start3A_46] : memref<10112x128xf32, #tpu.memory_space<vmem_shared>> -> memref<112x128xf32, #tpu.memory_space<vmem_shared>>
      tpu.enqueue_dma source(%arg7 : memref<112x128xf32, #tpu.memory_space<vmem>>) target(%dma_start3A_47 : memref<112x128xf32, #tpu.memory_space<vmem_shared>>) target_semaphore(%run_scoped3A : memref<!tpu.dma_semaphore, #tpu.memory_space<semaphore_mem>>)
      %dma_wait3A_48 = arith.constant 0 : i32
      %dma_wait3A_49 = tpu.memref_slice %arg9[%add3A_18, %dma_wait3A_48] : memref<10112x128xf32, #tpu.memory_space<vmem_shared>> -> memref<112x128xf32, #tpu.memory_space<vmem_shared>>
      %dma_wait3A_50 = arith.constant 0 : i32
      %dma_wait3A_51 = tpu.memref_slice %arg9[%add3A_18, %dma_wait3A_50] : memref<10112x128xf32, #tpu.memory_space<vmem_shared>> -> memref<112x128xf32, #tpu.memory_space<vmem_shared>>
      tpu.wait_dma2 semaphore(%run_scoped3A : memref<!tpu.dma_semaphore, #tpu.memory_space<semaphore_mem>>) src(%arg7 : memref<112x128xf32, #tpu.memory_space<vmem>>) dst(%dma_wait3A_51 : memref<112x128xf32, #tpu.memory_space<vmem_shared>>)
      tpu.yield
    }) : () -> ()
    %add3A_19 = arith.constant 448 : i32
    %add3A_20 = arith.addi %mul3A_10, %add3A_19 : i32
    "tpu.region"() ({
      %run_scoped3A = tpu.sem_alloc : memref<!tpu.dma_semaphore, #tpu.memory_space<semaphore_mem>>
      %dma_start3A_44 = arith.constant 0 : i32
      %dma_start3A_45 = tpu.memref_slice %arg9[%add3A_20, %dma_start3A_44] : memref<10112x128xf32, #tpu.memory_space<vmem_shared>> -> memref<112x128xf32, #tpu.memory_space<vmem_shared>>
      %dma_start3A_46 = arith.constant 0 : i32
      %dma_start3A_47 = tpu.memref_slice %arg9[%add3A_20, %dma_start3A_46] : memref<10112x128xf32, #tpu.memory_space<vmem_shared>> -> memref<112x128xf32, #tpu.memory_space<vmem_shared>>
      tpu.enqueue_dma source(%arg7 : memref<112x128xf32, #tpu.memory_space<vmem>>) target(%dma_start3A_47 : memref<112x128xf32, #tpu.memory_space<vmem_shared>>) target_semaphore(%run_scoped3A : memref<!tpu.dma_semaphore, #tpu.memory_space<semaphore_mem>>)
      %dma_wait3A_48 = arith.constant 0 : i32
      %dma_wait3A_49 = tpu.memref_slice %arg9[%add3A_20, %dma_wait3A_48] : memref<10112x128xf32, #tpu.memory_space<vmem_shared>> -> memref<112x128xf32, #tpu.memory_space<vmem_shared>>
      %dma_wait3A_50 = arith.constant 0 : i32
      %dma_wait3A_51 = tpu.memref_slice %arg9[%add3A_20, %dma_wait3A_50] : memref<10112x128xf32, #tpu.memory_space<vmem_shared>> -> memref<112x128xf32, #tpu.memory_space<vmem_shared>>
      tpu.wait_dma2 semaphore(%run_scoped3A : memref<!tpu.dma_semaphore, #tpu.memory_space<semaphore_mem>>) src(%arg7 : memref<112x128xf32, #tpu.memory_space<vmem>>) dst(%dma_wait3A_51 : memref<112x128xf32, #tpu.memory_space<vmem_shared>>)
      tpu.yield
    }) : () -> ()
    %add3A_21 = arith.constant 560 : i32
    %add3A_22 = arith.addi %mul3A_10, %add3A_21 : i32
    "tpu.region"() ({
      %run_scoped3A = tpu.sem_alloc : memref<!tpu.dma_semaphore, #tpu.memory_space<semaphore_mem>>
      %dma_start3A_44 = arith.constant 0 : i32
      %dma_start3A_45 = arith.constant 0 : i32
      %dma_start3A_46 = tpu.memref_slice %arg7[%dma_start3A_44, %dma_start3A_45] : memref<112x128xf32, #tpu.memory_space<vmem>> -> memref<72x128xf32, #tpu.memory_space<vmem>>
      %dma_start3A_47 = arith.constant 0 : i32
      %dma_start3A_48 = tpu.memref_slice %arg9[%add3A_22, %dma_start3A_47] : memref<10112x128xf32, #tpu.memory_space<vmem_shared>> -> memref<72x128xf32, #tpu.memory_space<vmem_shared>>
      %dma_start3A_49 = arith.constant 0 : i32
      %dma_start3A_50 = tpu.memref_slice %arg9[%add3A_22, %dma_start3A_49] : memref<10112x128xf32, #tpu.memory_space<vmem_shared>> -> memref<72x128xf32, #tpu.memory_space<vmem_shared>>
      %dma_start3A_51 = arith.constant 0 : i32
      %dma_start3A_52 = arith.constant 0 : i32
      %dma_start3A_53 = tpu.memref_slice %arg7[%dma_start3A_51, %dma_start3A_52] : memref<112x128xf32, #tpu.memory_space<vmem>> -> memref<72x128xf32, #tpu.memory_space<vmem>>
      tpu.enqueue_dma source(%dma_start3A_53 : memref<72x128xf32, #tpu.memory_space<vmem>>) target(%dma_start3A_50 : memref<72x128xf32, #tpu.memory_space<vmem_shared>>) target_semaphore(%run_scoped3A : memref<!tpu.dma_semaphore, #tpu.memory_space<semaphore_mem>>)
      %dma_wait3A_54 = arith.constant 0 : i32
      %dma_wait3A_55 = arith.constant 0 : i32
      %dma_wait3A_56 = tpu.memref_slice %arg7[%dma_wait3A_54, %dma_wait3A_55] : memref<112x128xf32, #tpu.memory_space<vmem>> -> memref<72x128xf32, #tpu.memory_space<vmem>>
      %dma_wait3A_57 = arith.constant 0 : i32
      %dma_wait3A_58 = tpu.memref_slice %arg9[%add3A_22, %dma_wait3A_57] : memref<10112x128xf32, #tpu.memory_space<vmem_shared>> -> memref<72x128xf32, #tpu.memory_space<vmem_shared>>
      %dma_wait3A_59 = arith.constant 0 : i32
      %dma_wait3A_60 = tpu.memref_slice %arg9[%add3A_22, %dma_wait3A_59] : memref<10112x128xf32, #tpu.memory_space<vmem_shared>> -> memref<72x128xf32, #tpu.memory_space<vmem_shared>>
      %dma_wait3A_61 = arith.constant 0 : i32
      %dma_wait3A_62 = arith.constant 0 : i32
      %dma_wait3A_63 = tpu.memref_slice %arg7[%dma_wait3A_61, %dma_wait3A_62] : memref<112x128xf32, #tpu.memory_space<vmem>> -> memref<72x128xf32, #tpu.memory_space<vmem>>
      tpu.wait_dma2 semaphore(%run_scoped3A : memref<!tpu.dma_semaphore, #tpu.memory_space<semaphore_mem>>) src(%dma_wait3A_63 : memref<72x128xf32, #tpu.memory_space<vmem>>) dst(%dma_wait3A_60 : memref<72x128xf32, #tpu.memory_space<vmem_shared>>)
      tpu.yield
    }) : () -> ()
    %lt3A = arith.constant 31 : i32
    %lt3A_23 = arith.cmpi slt, %add3A, %lt3A : i32
    %convert_element_type3A = arith.extui %lt3A_23 : i1 to i32
    %cond3A = arith.constant 0 : i32
    %cond3A_24 = arith.cmpi ne, %convert_element_type3A, %cond3A : i32
    scf.if %cond3A_24 {
      "tpu.region"() ({
        %run_scoped3A = tpu.sem_alloc : memref<!tpu.dma_semaphore, #tpu.memory_space<semaphore_mem>>
        %dma_start3A_46 = tpu.memref_slice %arg3[%mul3A_2] : memref<640000xi32, #tpu.memory_space<hbm>> -> memref<10080xi32, #tpu.memory_space<hbm>>
        %dma_start3A_47 = tpu.memref_slice %arg3[%mul3A_2] : memref<640000xi32, #tpu.memory_space<hbm>> -> memref<10080xi32, #tpu.memory_space<hbm>>
        tpu.enqueue_dma source(%dma_start3A_47 : memref<10080xi32, #tpu.memory_space<hbm>>) target(%arg5 : memref<10080xi32, #tpu.memory_space<vmem>>) target_semaphore(%run_scoped3A : memref<!tpu.dma_semaphore, #tpu.memory_space<semaphore_mem>>)
        %dma_wait3A_48 = tpu.memref_slice %arg3[%mul3A_2] : memref<640000xi32, #tpu.memory_space<hbm>> -> memref<10080xi32, #tpu.memory_space<hbm>>
        %dma_wait3A_49 = tpu.memref_slice %arg3[%mul3A_2] : memref<640000xi32, #tpu.memory_space<hbm>> -> memref<10080xi32, #tpu.memory_space<hbm>>
        tpu.wait_dma2 semaphore(%run_scoped3A : memref<!tpu.dma_semaphore, #tpu.memory_space<semaphore_mem>>) src(%dma_wait3A_49 : memref<10080xi32, #tpu.memory_space<hbm>>) dst(%arg5 : memref<10080xi32, #tpu.memory_space<vmem>>)
        tpu.yield
      }) : () -> ()
      %add3A_44 = arith.constant 320000 : i32
      %add3A_45 = arith.addi %add3A_44, %mul3A_2 : i32
      "tpu.region"() ({
        %run_scoped3A = tpu.sem_alloc : memref<!tpu.dma_semaphore, #tpu.memory_space<semaphore_mem>>
        %dma_start3A_46 = tpu.memref_slice %arg3[%add3A_45] : memref<640000xi32, #tpu.memory_space<hbm>> -> memref<10080xi32, #tpu.memory_space<hbm>>
        %dma_start3A_47 = tpu.memref_slice %arg3[%add3A_45] : memref<640000xi32, #tpu.memory_space<hbm>> -> memref<10080xi32, #tpu.memory_space<hbm>>
        tpu.enqueue_dma source(%dma_start3A_47 : memref<10080xi32, #tpu.memory_space<hbm>>) target(%arg6 : memref<10080xi32, #tpu.memory_space<vmem>>) target_semaphore(%run_scoped3A : memref<!tpu.dma_semaphore, #tpu.memory_space<semaphore_mem>>)
        %dma_wait3A_48 = tpu.memref_slice %arg3[%add3A_45] : memref<640000xi32, #tpu.memory_space<hbm>> -> memref<10080xi32, #tpu.memory_space<hbm>>
        %dma_wait3A_49 = tpu.memref_slice %arg3[%add3A_45] : memref<640000xi32, #tpu.memory_space<hbm>> -> memref<10080xi32, #tpu.memory_space<hbm>>
        tpu.wait_dma2 semaphore(%run_scoped3A : memref<!tpu.dma_semaphore, #tpu.memory_space<semaphore_mem>>) src(%dma_wait3A_49 : memref<10080xi32, #tpu.memory_space<hbm>>) dst(%arg6 : memref<10080xi32, #tpu.memory_space<vmem>>)
        tpu.yield
      }) : () -> ()
    } else {
    }
    %eq3A = arith.constant 31 : i32
    %eq3A_25 = arith.cmpi eq, %add3A, %eq3A : i32
    %convert_element_type3A_26 = arith.extui %eq3A_25 : i1 to i32
    %cond3A_27 = arith.constant 0 : i32
    %cond3A_28 = arith.cmpi ne, %convert_element_type3A_26, %cond3A_27 : i32
    scf.if %cond3A_28 {
      "tpu.region"() ({
        %run_scoped3A = tpu.sem_alloc : memref<!tpu.dma_semaphore, #tpu.memory_space<semaphore_mem>>
        %dma_start3A_52 = arith.constant 0 : i32
        %dma_start3A_53 = tpu.memref_slice %arg5[%dma_start3A_52] : memref<10080xi32, #tpu.memory_space<vmem>> -> memref<7520xi32, #tpu.memory_space<vmem>>
        %dma_start3A_54 = tpu.memref_slice %arg3[%mul3A_2] : memref<640000xi32, #tpu.memory_space<hbm>> -> memref<7520xi32, #tpu.memory_space<hbm>>
        %dma_start3A_55 = arith.constant 0 : i32
        %dma_start3A_56 = tpu.memref_slice %arg5[%dma_start3A_55] : memref<10080xi32, #tpu.memory_space<vmem>> -> memref<7520xi32, #tpu.memory_space<vmem>>
        %dma_start3A_57 = tpu.memref_slice %arg3[%mul3A_2] : memref<640000xi32, #tpu.memory_space<hbm>> -> memref<7520xi32, #tpu.memory_space<hbm>>
        tpu.enqueue_dma source(%dma_start3A_57 : memref<7520xi32, #tpu.memory_space<hbm>>) target(%dma_start3A_56 : memref<7520xi32, #tpu.memory_space<vmem>>) target_semaphore(%run_scoped3A : memref<!tpu.dma_semaphore, #tpu.memory_space<semaphore_mem>>)
        %dma_wait3A_58 = arith.constant 0 : i32
        %dma_wait3A_59 = tpu.memref_slice %arg5[%dma_wait3A_58] : memref<10080xi32, #tpu.memory_space<vmem>> -> memref<7520xi32, #tpu.memory_space<vmem>>
        %dma_wait3A_60 = tpu.memref_slice %arg3[%mul3A_2] : memref<640000xi32, #tpu.memory_space<hbm>> -> memref<7520xi32, #tpu.memory_space<hbm>>
        %dma_wait3A_61 = arith.constant 0 : i32
        %dma_wait3A_62 = tpu.memref_slice %arg5[%dma_wait3A_61] : memref<10080xi32, #tpu.memory_space<vmem>> -> memref<7520xi32, #tpu.memory_space<vmem>>
        %dma_wait3A_63 = tpu.memref_slice %arg3[%mul3A_2] : memref<640000xi32, #tpu.memory_space<hbm>> -> memref<7520xi32, #tpu.memory_space<hbm>>
        tpu.wait_dma2 semaphore(%run_scoped3A : memref<!tpu.dma_semaphore, #tpu.memory_space<semaphore_mem>>) src(%dma_wait3A_63 : memref<7520xi32, #tpu.memory_space<hbm>>) dst(%dma_wait3A_62 : memref<7520xi32, #tpu.memory_space<vmem>>)
        tpu.yield
      }) : () -> ()
      %add3A_44 = arith.constant 320000 : i32
      %add3A_45 = arith.addi %add3A_44, %mul3A_2 : i32
      "tpu.region"() ({
        %run_scoped3A = tpu.sem_alloc : memref<!tpu.dma_semaphore, #tpu.memory_space<semaphore_mem>>
        %dma_start3A_52 = arith.constant 0 : i32
        %dma_start3A_53 = tpu.memref_slice %arg6[%dma_start3A_52] : memref<10080xi32, #tpu.memory_space<vmem>> -> memref<7520xi32, #tpu.memory_space<vmem>>
        %dma_start3A_54 = tpu.memref_slice %arg3[%add3A_45] : memref<640000xi32, #tpu.memory_space<hbm>> -> memref<7520xi32, #tpu.memory_space<hbm>>
        %dma_start3A_55 = arith.constant 0 : i32
        %dma_start3A_56 = tpu.memref_slice %arg6[%dma_start3A_55] : memref<10080xi32, #tpu.memory_space<vmem>> -> memref<7520xi32, #tpu.memory_space<vmem>>
        %dma_start3A_57 = tpu.memref_slice %arg3[%add3A_45] : memref<640000xi32, #tpu.memory_space<hbm>> -> memref<7520xi32, #tpu.memory_space<hbm>>
        tpu.enqueue_dma source(%dma_start3A_57 : memref<7520xi32, #tpu.memory_space<hbm>>) target(%dma_start3A_56 : memref<7520xi32, #tpu.memory_space<vmem>>) target_semaphore(%run_scoped3A : memref<!tpu.dma_semaphore, #tpu.memory_space<semaphore_mem>>)
        %dma_wait3A_58 = arith.constant 0 : i32
        %dma_wait3A_59 = tpu.memref_slice %arg6[%dma_wait3A_58] : memref<10080xi32, #tpu.memory_space<vmem>> -> memref<7520xi32, #tpu.memory_space<vmem>>
        %dma_wait3A_60 = tpu.memref_slice %arg3[%add3A_45] : memref<640000xi32, #tpu.memory_space<hbm>> -> memref<7520xi32, #tpu.memory_space<hbm>>
        %dma_wait3A_61 = arith.constant 0 : i32
        %dma_wait3A_62 = tpu.memref_slice %arg6[%dma_wait3A_61] : memref<10080xi32, #tpu.memory_space<vmem>> -> memref<7520xi32, #tpu.memory_space<vmem>>
        %dma_wait3A_63 = tpu.memref_slice %arg3[%add3A_45] : memref<640000xi32, #tpu.memory_space<hbm>> -> memref<7520xi32, #tpu.memory_space<hbm>>
        tpu.wait_dma2 semaphore(%run_scoped3A : memref<!tpu.dma_semaphore, #tpu.memory_space<semaphore_mem>>) src(%dma_wait3A_63 : memref<7520xi32, #tpu.memory_space<hbm>>) dst(%dma_wait3A_62 : memref<7520xi32, #tpu.memory_space<vmem>>)
        tpu.yield
      }) : () -> ()
      %iota3A = tpu.iota {dimensions = array<i32: 0>} : vector<16xi32>
      %scan3A_46 = arith.constant 0 : i32
      %scan3A_47 = arith.constant 0 : i32
      %scan3A_48 = arith.constant 160 : i32
      %scan3A_49 = arith.addi %scan3A_47, %scan3A_48 : i32
      %scan3A_50 = arith.constant 1 : i32
      scf.for %scan3A_52 = %scan3A_47 to %scan3A_49 step %scan3A_50  : i32 {
        %mul3A_53 = arith.constant 16 : i32
        %mul3A_54 = arith.muli %scan3A_52, %mul3A_53 : i32
        %add3A_55 = arith.constant 7520 : i32
        %add3A_56 = arith.addi %add3A_55, %mul3A_54 : i32
        %mul3A_57 = arith.constant 16 : i32
        %mul3A_58 = arith.muli %scan3A_52, %mul3A_57 : i32
        %add3A_59 = vector.broadcast %mul3A_58 : i32 to vector<16xi32>
        %add3A_60 = arith.addi %iota3A, %add3A_59 : vector<16xi32>
        %swap3A = arith.index_cast %add3A_56 : i32 to index
        %swap3A_61 = tpu.vector_load %arg5[%swap3A] {strides = array<i32>} : memref<10080xi32, #tpu.memory_space<vmem>>, vector<16xi32>,
        %swap3A_62 = vector.shape_cast %swap3A_61 : vector<16xi32> to vector<16xi32>
        %swap3A_63 = vector.shape_cast %add3A_60 : vector<16xi32> to vector<16xi32>
        tpu.vector_store %arg5[%swap3A], %swap3A_63 {strides = array<i32>} : memref<10080xi32, #tpu.memory_space<vmem>>, vector<16xi32>,
        %jit3A = arith.constant 7 : i32
        %eq3A_64 = arith.constant 0 : i32
        %eq3A_65 = arith.cmpi eq, %jit3A, %eq3A_64 : i32
        %jit3A_66 = arith.constant 1 : i32
        %select_n3A = arith.select %eq3A_65, %jit3A_66, %jit3A : i32
        %rem3A = arith.remsi %scan3A_52, %select_n3A : i32
        %ne3A = arith.constant 0 : i32
        %ne3A_67 = arith.cmpi ne, %rem3A, %ne3A : i32
        %lt3A_68 = arith.constant 0 : i32
        %lt3A_69 = arith.cmpi slt, %rem3A, %lt3A_68 : i32
        %lt3A_70 = arith.constant 0 : i32
        %lt3A_71 = arith.cmpi slt, %select_n3A, %lt3A_70 : i32
        %ne3A_72 = arith.xori %lt3A_69, %lt3A_71 : i1
        %and3A = arith.andi %ne3A_72, %ne3A_67 : i1
        %add3A_73 = arith.addi %rem3A, %select_n3A : i32
        %select_n3A_74 = arith.select %and3A, %add3A_73, %rem3A : i32
        %mul3A_75 = arith.constant 16 : i32
        %mul3A_76 = arith.muli %select_n3A_74, %mul3A_75 : i32
        %add3A_77 = vector.broadcast %mul3A_76 : i32 to vector<16xi32>
        %add3A_78 = arith.addi %iota3A, %add3A_77 : vector<16xi32>
        %add3A_79 = arith.constant 10000 : i32
        %add3A_80 = vector.broadcast %add3A_79 : i32 to vector<16xi32>
        %add3A_81 = arith.addi %add3A_78, %add3A_80 : vector<16xi32>
        %swap3A_82 = arith.index_cast %add3A_56 : i32 to index
        %swap3A_83 = tpu.vector_load %arg6[%swap3A_82] {strides = array<i32>} : memref<10080xi32, #tpu.memory_space<vmem>>, vector<16xi32>,
        %swap3A_84 = vector.shape_cast %swap3A_83 : vector<16xi32> to vector<16xi32>
        %swap3A_85 = vector.shape_cast %add3A_81 : vector<16xi32> to vector<16xi32>
        tpu.vector_store %arg6[%swap3A_82], %swap3A_85 {strides = array<i32>} : memref<10080xi32, #tpu.memory_space<vmem>>, vector<16xi32>,
      }
      %scan3A_51 = arith.constant 160 : i32
    } else {
    }
    %barrier3A = arith.constant 0 : index
    tpu.barrier barrier_id(%barrier3A)
    %dma_start3A = arith.constant 0 : i32
    %dma_start3A_29 = tpu.memref_slice %arg5[%dma_start3A] : memref<10080xi32, #tpu.memory_space<vmem>> -> memref<112xi32, #tpu.memory_space<vmem>>
    %dma_start3A_30 = arith.constant 0 : i32
    %dma_start3A_31 = arith.constant 0 : i32
    %dma_start3A_32 = tpu.memref_slice %arg2[%dma_start3A_30, %dma_start3A_31] : memref<20000x128xf32, #tpu.memory_space<hbm>> -> memref<20000x128xf32, #tpu.memory_space<hbm>>
    tpu.enqueue_indirect_dma source(%dma_start3A_32 : memref<20000x128xf32, #tpu.memory_space<hbm>>) target(%arg7 : memref<112x128xf32, #tpu.memory_space<vmem>>) offsets(%dma_start3A_29 : memref<112xi32, #tpu.memory_space<vmem>>) semaphore(%arg10 : memref<!tpu.dma_semaphore, #tpu.memory_space<semaphore_mem>>)
    %scan3A_33 = arith.constant 0 : i32
    %scan3A_34 = arith.constant 0 : i32
    %scan3A_35 = arith.constant 45 : i32
    %scan3A_36 = arith.addi %scan3A_34, %scan3A_35 : i32
    %scan3A_37 = arith.constant 1 : i32
    scf.for %scan3A_44 = %scan3A_34 to %scan3A_36 step %scan3A_37  : i32 {
      %mul3A_45 = arith.constant 2 : i32
      %mul3A_46 = arith.muli %scan3A_44, %mul3A_45 : i32
      %add3A_47 = arith.constant 0 : i32
      %add3A_48 = arith.addi %mul3A_46, %add3A_47 : i32
      %add3A_49 = arith.constant 2 : i32
      %add3A_50 = arith.addi %add3A_48, %add3A_49 : i32
      %sub3A = arith.constant 1 : i32
      %sub3A_51 = arith.subi %add3A_50, %sub3A : i32
      %gt3A = arith.constant 0 : i32
      %gt3A_52 = arith.cmpi sgt, %scan3A_44, %gt3A : i32
      %convert_element_type3A_53 = arith.extui %gt3A_52 : i1 to i32
      %cond3A_54 = arith.constant 0 : i32
      %cond3A_55 = arith.cmpi ne, %convert_element_type3A_53, %cond3A_54 : i32
      scf.if %cond3A_55 {
        %sub3A_106 = arith.constant 1 : i32
        %sub3A_107 = arith.subi %add3A_48, %sub3A_106 : i32
        %mul3A_108 = arith.constant 112 : i32
        %mul3A_109 = arith.muli %sub3A_107, %mul3A_108 : i32
        %dma_wait3A_110 = tpu.memref_slice %arg6[%mul3A_109] : memref<10080xi32, #tpu.memory_space<vmem>> -> memref<112xi32, #tpu.memory_space<vmem>>
        %dma_wait3A_111 = arith.constant 0 : i32
        %dma_wait3A_112 = arith.constant 0 : i32
        %dma_wait3A_113 = tpu.memref_slice %arg9[%dma_wait3A_111, %dma_wait3A_112] : memref<10112x128xf32, #tpu.memory_space<vmem_shared>> -> memref<10112x128xf32, #tpu.memory_space<vmem_shared>>
        tpu.wait_indirect_dma semaphore(%arg13 : memref<!tpu.dma_semaphore, #tpu.memory_space<semaphore_mem>>) src(%arg8 : memref<112x128xf32, #tpu.memory_space<vmem>>) dst(%dma_wait3A_113 : memref<10112x128xf32, #tpu.memory_space<vmem_shared>>)
      } else {
      }
      %lt3A_56 = arith.constant 90 : i32
      %lt3A_57 = arith.cmpi slt, %sub3A_51, %lt3A_56 : i32
      %convert_element_type3A_58 = arith.extui %lt3A_57 : i1 to i32
      %cond3A_59 = arith.constant 0 : i32
      %cond3A_60 = arith.cmpi ne, %convert_element_type3A_58, %cond3A_59 : i32
      scf.if %cond3A_60 {
        %mul3A_106 = arith.constant 112 : i32
        %mul3A_107 = arith.muli %sub3A_51, %mul3A_106 : i32
        %dma_start3A_108 = tpu.memref_slice %arg5[%mul3A_107] : memref<10080xi32, #tpu.memory_space<vmem>> -> memref<112xi32, #tpu.memory_space<vmem>>
        %dma_start3A_109 = arith.constant 0 : i32
        %dma_start3A_110 = arith.constant 0 : i32
        %dma_start3A_111 = tpu.memref_slice %arg2[%dma_start3A_109, %dma_start3A_110] : memref<20000x128xf32, #tpu.memory_space<hbm>> -> memref<20000x128xf32, #tpu.memory_space<hbm>>
        tpu.enqueue_indirect_dma source(%dma_start3A_111 : memref<20000x128xf32, #tpu.memory_space<hbm>>) target(%arg8 : memref<112x128xf32, #tpu.memory_space<vmem>>) offsets(%dma_start3A_108 : memref<112xi32, #tpu.memory_space<vmem>>) semaphore(%arg11 : memref<!tpu.dma_semaphore, #tpu.memory_space<semaphore_mem>>)
      } else {
      }
      %mul3A_61 = arith.constant 112 : i32
      %mul3A_62 = arith.muli %add3A_48, %mul3A_61 : i32
      %dma_wait3A_63 = tpu.memref_slice %arg5[%mul3A_62] : memref<10080xi32, #tpu.memory_space<vmem>> -> memref<112xi32, #tpu.memory_space<vmem>>
      %dma_wait3A_64 = arith.constant 0 : i32
      %dma_wait3A_65 = arith.constant 0 : i32
      %dma_wait3A_66 = tpu.memref_slice %arg2[%dma_wait3A_64, %dma_wait3A_65] : memref<20000x128xf32, #tpu.memory_space<hbm>> -> memref<20000x128xf32, #tpu.memory_space<hbm>>
      tpu.wait_indirect_dma semaphore(%arg10 : memref<!tpu.dma_semaphore, #tpu.memory_space<semaphore_mem>>) src(%dma_wait3A_66 : memref<20000x128xf32, #tpu.memory_space<hbm>>) dst(%arg7 : memref<112x128xf32, #tpu.memory_space<vmem>>)
      %mul3A_67 = arith.constant 112 : i32
      %mul3A_68 = arith.muli %add3A_48, %mul3A_67 : i32
      %dma_start3A_69 = tpu.memref_slice %arg6[%mul3A_68] : memref<10080xi32, #tpu.memory_space<vmem>> -> memref<112xi32, #tpu.memory_space<vmem>>
      %dma_start3A_70 = arith.constant 0 : i32
      %dma_start3A_71 = arith.constant 0 : i32
      %dma_start3A_72 = tpu.memref_slice %arg9[%dma_start3A_70, %dma_start3A_71] : memref<10112x128xf32, #tpu.memory_space<vmem_shared>> -> memref<10112x128xf32, #tpu.memory_space<vmem_shared>>
      tpu.enqueue_indirect_dma source(%arg7 : memref<112x128xf32, #tpu.memory_space<vmem>>) target(%dma_start3A_72 : memref<10112x128xf32, #tpu.memory_space<vmem_shared>>) offsets(%dma_start3A_69 : memref<112xi32, #tpu.memory_space<vmem>>) semaphore(%arg12 : memref<!tpu.dma_semaphore, #tpu.memory_space<semaphore_mem>>) {add = true}
      %mul3A_73 = arith.constant 2 : i32
      %mul3A_74 = arith.muli %scan3A_44, %mul3A_73 : i32
      %add3A_75 = arith.constant 1 : i32
      %add3A_76 = arith.addi %mul3A_74, %add3A_75 : i32
      %add3A_77 = arith.constant 2 : i32
      %add3A_78 = arith.addi %add3A_76, %add3A_77 : i32
      %sub3A_79 = arith.constant 1 : i32
      %sub3A_80 = arith.subi %add3A_78, %sub3A_79 : i32
      %sub3A_81 = arith.constant 1 : i32
      %sub3A_82 = arith.subi %add3A_76, %sub3A_81 : i32
      %mul3A_83 = arith.constant 112 : i32
      %mul3A_84 = arith.muli %sub3A_82, %mul3A_83 : i32
      %dma_wait3A_85 = tpu.memref_slice %arg6[%mul3A_84] : memref<10080xi32, #tpu.memory_space<vmem>> -> memref<112xi32, #tpu.memory_space<vmem>>
      %dma_wait3A_86 = arith.constant 0 : i32
      %dma_wait3A_87 = arith.constant 0 : i32
      %dma_wait3A_88 = tpu.memref_slice %arg9[%dma_wait3A_86, %dma_wait3A_87] : memref<10112x128xf32, #tpu.memory_space<vmem_shared>> -> memref<10112x128xf32, #tpu.memory_space<vmem_shared>>
      tpu.wait_indirect_dma semaphore(%arg12 : memref<!tpu.dma_semaphore, #tpu.memory_space<semaphore_mem>>) src(%arg7 : memref<112x128xf32, #tpu.memory_space<vmem>>) dst(%dma_wait3A_88 : memref<10112x128xf32, #tpu.memory_space<vmem_shared>>)
      %lt3A_89 = arith.constant 90 : i32
      %lt3A_90 = arith.cmpi slt, %sub3A_80, %lt3A_89 : i32
      %convert_element_type3A_91 = arith.extui %lt3A_90 : i1 to i32
      %cond3A_92 = arith.constant 0 : i32
      %cond3A_93 = arith.cmpi ne, %convert_element_type3A_91, %cond3A_92 : i32
      scf.if %cond3A_93 {
        %mul3A_106 = arith.constant 112 : i32
        %mul3A_107 = arith.muli %sub3A_80, %mul3A_106 : i32
        %dma_start3A_108 = tpu.memref_slice %arg5[%mul3A_107] : memref<10080xi32, #tpu.memory_space<vmem>> -> memref<112xi32, #tpu.memory_space<vmem>>
        %dma_start3A_109 = arith.constant 0 : i32
        %dma_start3A_110 = arith.constant 0 : i32
        %dma_start3A_111 = tpu.memref_slice %arg2[%dma_start3A_109, %dma_start3A_110] : memref<20000x128xf32, #tpu.memory_space<hbm>> -> memref<20000x128xf32, #tpu.memory_space<hbm>>
        tpu.enqueue_indirect_dma source(%dma_start3A_111 : memref<20000x128xf32, #tpu.memory_space<hbm>>) target(%arg7 : memref<112x128xf32, #tpu.memory_space<vmem>>) offsets(%dma_start3A_108 : memref<112xi32, #tpu.memory_space<vmem>>) semaphore(%arg10 : memref<!tpu.dma_semaphore, #tpu.memory_space<semaphore_mem>>)
      } else {
      }
      %mul3A_94 = arith.constant 112 : i32
      %mul3A_95 = arith.muli %add3A_76, %mul3A_94 : i32
      %dma_wait3A_96 = tpu.memref_slice %arg5[%mul3A_95] : memref<10080xi32, #tpu.memory_space<vmem>> -> memref<112xi32, #tpu.memory_space<vmem>>
      %dma_wait3A_97 = arith.constant 0 : i32
      %dma_wait3A_98 = arith.constant 0 : i32
      %dma_wait3A_99 = tpu.memref_slice %arg2[%dma_wait3A_97, %dma_wait3A_98] : memref<20000x128xf32, #tpu.memory_space<hbm>> -> memref<20000x128xf32, #tpu.memory_space<hbm>>
      tpu.wait_indirect_dma semaphore(%arg11 : memref<!tpu.dma_semaphore, #tpu.memory_space<semaphore_mem>>) src(%dma_wait3A_99 : memref<20000x128xf32, #tpu.memory_space<hbm>>) dst(%arg8 : memref<112x128xf32, #tpu.memory_space<vmem>>)
      %mul3A_100 = arith.constant 112 : i32
      %mul3A_101 = arith.muli %add3A_76, %mul3A_100 : i32
      %dma_start3A_102 = tpu.memref_slice %arg6[%mul3A_101] : memref<10080xi32, #tpu.memory_space<vmem>> -> memref<112xi32, #tpu.memory_space<vmem>>
      %dma_start3A_103 = arith.constant 0 : i32
      %dma_start3A_104 = arith.constant 0 : i32
      %dma_start3A_105 = tpu.memref_slice %arg9[%dma_start3A_103, %dma_start3A_104] : memref<10112x128xf32, #tpu.memory_space<vmem_shared>> -> memref<10112x128xf32, #tpu.memory_space<vmem_shared>>
      tpu.enqueue_indirect_dma source(%arg8 : memref<112x128xf32, #tpu.memory_space<vmem>>) target(%dma_start3A_105 : memref<10112x128xf32, #tpu.memory_space<vmem_shared>>) offsets(%dma_start3A_102 : memref<112xi32, #tpu.memory_space<vmem>>) semaphore(%arg13 : memref<!tpu.dma_semaphore, #tpu.memory_space<semaphore_mem>>) {add = true}
    }
    %scan3A_38 = arith.constant 45 : i32
    %dma_wait3A = arith.constant 9968 : i32
    %dma_wait3A_39 = tpu.memref_slice %arg6[%dma_wait3A] : memref<10080xi32, #tpu.memory_space<vmem>> -> memref<112xi32, #tpu.memory_space<vmem>>
    %dma_wait3A_40 = arith.constant 0 : i32
    %dma_wait3A_41 = arith.constant 0 : i32
    %dma_wait3A_42 = tpu.memref_slice %arg9[%dma_wait3A_40, %dma_wait3A_41] : memref<10112x128xf32, #tpu.memory_space<vmem_shared>> -> memref<10112x128xf32, #tpu.memory_space<vmem_shared>>
    tpu.wait_indirect_dma semaphore(%arg13 : memref<!tpu.dma_semaphore, #tpu.memory_space<semaphore_mem>>) src(%arg8 : memref<112x128xf32, #tpu.memory_space<vmem>>) dst(%dma_wait3A_42 : memref<10112x128xf32, #tpu.memory_space<vmem_shared>>)
    %barrier3A_43 = arith.constant 0 : index
    tpu.barrier barrier_id(%barrier3A_43)
    "tpu.region"() ({
      %run_scoped3A = tpu.sem_alloc : memref<!tpu.dma_semaphore, #tpu.memory_space<semaphore_mem>>
      %dma_start3A_44 = arith.constant 0 : i32
      %dma_start3A_45 = tpu.memref_slice %arg4[%arg0, %mul3A_10, %dma_start3A_44] : memref<2x10112x128xf32, #tpu.memory_space<hbm>> -> memref<1x632x128xf32, #tpu.memory_space<hbm>>
      %dma_start3A_46 = tpu.memref_squeeze %dma_start3A_45 : memref<1x632x128xf32, #tpu.memory_space<hbm>> -> memref<632x128xf32, #tpu.memory_space<hbm>>
      %dma_start3A_47 = arith.constant 0 : i32
      %dma_start3A_48 = tpu.memref_slice %arg9[%mul3A_10, %dma_start3A_47] : memref<10112x128xf32, #tpu.memory_space<vmem_shared>> -> memref<632x128xf32, #tpu.memory_space<vmem_shared>>
      tpu.enqueue_dma source(%dma_start3A_48 : memref<632x128xf32, #tpu.memory_space<vmem_shared>>) target(%dma_start3A_46 : memref<632x128xf32, #tpu.memory_space<hbm>>) target_semaphore(%run_scoped3A : memref<!tpu.dma_semaphore, #tpu.memory_space<semaphore_mem>>)
      %dma_wait3A_49 = arith.constant 0 : i32
      %dma_wait3A_50 = tpu.memref_slice %arg4[%arg0, %mul3A_10, %dma_wait3A_49] : memref<2x10112x128xf32, #tpu.memory_space<hbm>> -> memref<1x632x128xf32, #tpu.memory_space<hbm>>
      %dma_wait3A_51 = tpu.memref_squeeze %dma_wait3A_50 : memref<1x632x128xf32, #tpu.memory_space<hbm>> -> memref<632x128xf32, #tpu.memory_space<hbm>>
      %dma_wait3A_52 = arith.constant 0 : i32
      %dma_wait3A_53 = tpu.memref_slice %arg9[%mul3A_10, %dma_wait3A_52] : memref<10112x128xf32, #tpu.memory_space<vmem_shared>> -> memref<632x128xf32, #tpu.memory_space<vmem_shared>>
      tpu.wait_dma2 semaphore(%run_scoped3A : memref<!tpu.dma_semaphore, #tpu.memory_space<semaphore_mem>>) src(%dma_wait3A_53 : memref<632x128xf32, #tpu.memory_space<vmem_shared>>) dst(%dma_wait3A_51 : memref<632x128xf32, #tpu.memory_space<hbm>>)
      tpu.yield
    }) : () -> ()
    return
  }
}

module attributes {stable_mosaic.version = 14 : i64} {
  func.func @_gidx_body(%arg0: i32, %arg1: memref<2x320000xi32, #tpu.memory_space<vmem>>, %arg2: memref<1x320000xi32, #tpu.memory_space<vmem>>, %arg3: memref<2x320000xi32, #tpu.memory_space<vmem>>) attributes {dimension_semantics = [#tpu.dimension_semantics<arbitrary>], iteration_bounds = array<i64: 1>, scalar_prefetch = 0 : i64, scratch_operands = 0 : i64, tpu.core_type = #tpu.core_type<tc>, window_params = [{pipeline_mode = #tpu.pipeline_mode<synchronous>, transform_indices = @transform_0, window_bounds = array<i64: 2, 320000>}, {pipeline_mode = #tpu.pipeline_mode<synchronous>, transform_indices = @transform_1, window_bounds = array<i64: 1, 320000>}, {pipeline_mode = #tpu.pipeline_mode<synchronous>, transform_indices = @transform_2, window_bounds = array<i64: 2, 320000>}]} {
    %get3A = arith.constant 0 : index
    %get3A_0 = arith.constant 0 : index
    %get3A_1 = vector.load %arg1[%get3A, %get3A_0] : memref<2x320000xi32, #tpu.memory_space<vmem>>, vector<1x320000xi32>
    %get3A_2 = vector.shape_cast %get3A_1 : vector<1x320000xi32> to vector<320000xi32>
    %get3A_3 = arith.constant 0 : index
    %get3A_4 = arith.constant 0 : index
    %get3A_5 = vector.load %arg2[%get3A_3, %get3A_4] : memref<1x320000xi32, #tpu.memory_space<vmem>>, vector<1x320000xi32>
    %get3A_6 = vector.shape_cast %get3A_5 : vector<1x320000xi32> to vector<320000xi32>
    %mul3A = arith.constant 10000 : i32
    %mul3A_7 = vector.broadcast %mul3A : i32 to vector<320000xi32>
    %mul3A_8 = arith.muli %get3A_6, %mul3A_7 : vector<320000xi32>
    %add3A = arith.addi %get3A_2, %mul3A_8 : vector<320000xi32>
    %swap3A = arith.constant 0 : index
    %swap3A_9 = arith.constant 0 : index
    %swap3A_10 = vector.load %arg3[%swap3A, %swap3A_9] : memref<2x320000xi32, #tpu.memory_space<vmem>>, vector<1x320000xi32>
    %swap3A_11 = vector.shape_cast %swap3A_10 : vector<1x320000xi32> to vector<320000xi32>
    %swap3A_12 = vector.shape_cast %add3A : vector<320000xi32> to vector<1x320000xi32>
    tpu.vector_store %arg3[%swap3A, %swap3A_9], %swap3A_12 {strides = array<i32>} : memref<2x320000xi32, #tpu.memory_space<vmem>>, vector<1x320000xi32>,
    %get3A_13 = arith.constant 1 : index
    %get3A_14 = arith.constant 0 : index
    %get3A_15 = vector.load %arg1[%get3A_13, %get3A_14] : memref<2x320000xi32, #tpu.memory_space<vmem>>, vector<1x320000xi32>
    %get3A_16 = vector.shape_cast %get3A_15 : vector<1x320000xi32> to vector<320000xi32>
    %swap3A_17 = arith.constant 1 : index
    %swap3A_18 = arith.constant 0 : index
    %swap3A_19 = vector.load %arg3[%swap3A_17, %swap3A_18] : memref<2x320000xi32, #tpu.memory_space<vmem>>, vector<1x320000xi32>
    %swap3A_20 = vector.shape_cast %swap3A_19 : vector<1x320000xi32> to vector<320000xi32>
    %swap3A_21 = vector.shape_cast %get3A_16 : vector<320000xi32> to vector<1x320000xi32>
    tpu.vector_store %arg3[%swap3A_17, %swap3A_18], %swap3A_21 {strides = array<i32>} : memref<2x320000xi32, #tpu.memory_space<vmem>>, vector<1x320000xi32>,
    return
  }
  func.func @transform_0(%arg0: i32) -> (i32, i32) {
    %c0_i32 = arith.constant 0 : i32
    %c0_i32_0 = arith.constant 0 : i32
    %c0_i32_1 = arith.constant 0 : i32
    return %c0_i32, %c0_i32_0 : i32, i32
  }
  func.func @transform_1(%arg0: i32) -> (i32, i32) {
    %c0_i32 = arith.constant 0 : i32
    %c0_i32_0 = arith.constant 0 : i32
    %c0_i32_1 = arith.constant 0 : i32
    return %c0_i32, %c0_i32_0 : i32, i32
  }
  func.func @transform_2(%arg0: i32) -> (i32, i32) {
    %c0_i32 = arith.constant 0 : i32
    %c0_i32_0 = arith.constant 0 : i32
    %c0_i32_1 = arith.constant 0 : i32
    return %c0_i32, %c0_i32_0 : i32, i32
  }
}

module attributes {stable_mosaic.version = 14 : i64} {
  func.func @_enc_table_body(%arg0: i32, %arg1: memref<1000x16xf32, #tpu.memory_space<vmem>>, %arg2: memref<16x128xf32, #tpu.memory_space<vmem>>, %arg3: memref<1x128xf32, #tpu.memory_space<vmem>>, %arg4: memref<128x128xf32, #tpu.memory_space<vmem>>, %arg5: memref<1x128xf32, #tpu.memory_space<vmem>>, %arg6: memref<8x128xf32, #tpu.memory_space<vmem>>, %arg7: memref<128x128xf32, #tpu.memory_space<vmem>>, %arg8: memref<1x128xf32, #tpu.memory_space<vmem>>, %arg9: memref<1000x128xf32, #tpu.memory_space<vmem>>, %arg10: memref<2x1000x128xf32, #tpu.memory_space<vmem>>) attributes {dimension_semantics = [#tpu.dimension_semantics<arbitrary>], iteration_bounds = array<i64: 10>, scalar_prefetch = 0 : i64, scratch_operands = 0 : i64, tpu.core_type = #tpu.core_type<tc>, window_params = [{transform_indices = @transform_0, window_bounds = array<i64: 1000, 16>}, {pipeline_mode = #tpu.pipeline_mode<synchronous>, transform_indices = @transform_1, window_bounds = array<i64: 16, 128>}, {pipeline_mode = #tpu.pipeline_mode<synchronous>, transform_indices = @transform_2, window_bounds = array<i64: 1, 128>}, {pipeline_mode = #tpu.pipeline_mode<synchronous>, transform_indices = @transform_3, window_bounds = array<i64: 128, 128>}, {pipeline_mode = #tpu.pipeline_mode<synchronous>, transform_indices = @transform_4, window_bounds = array<i64: 1, 128>}, {pipeline_mode = #tpu.pipeline_mode<synchronous>, transform_indices = @transform_5, window_bounds = array<i64: 8, 128>}, {pipeline_mode = #tpu.pipeline_mode<synchronous>, transform_indices = @transform_6, window_bounds = array<i64: 128, 128>}, {pipeline_mode = #tpu.pipeline_mode<synchronous>, transform_indices = @transform_7, window_bounds = array<i64: 1, 128>}, {transform_indices = @transform_8, window_bounds = array<i64: 1000, 128>}, {transform_indices = @transform_9, window_bounds = array<i64: 2, 1000, 128>}]} {
    %get3A = arith.constant 0 : index
    %get3A_0 = arith.constant 0 : index
    %get3A_1 = vector.load %arg1[%get3A, %get3A_0] : memref<1000x16xf32, #tpu.memory_space<vmem>>, vector<1000x16xf32>
    %get3A_2 = arith.constant 0 : index
    %get3A_3 = arith.constant 0 : index
    %get3A_4 = vector.load %arg2[%get3A_2, %get3A_3] : memref<16x128xf32, #tpu.memory_space<vmem>>, vector<16x128xf32>
    %dot_general3A = arith.constant dense<0.000000e+00> : vector<1000x128xf32>
    %dot_general3A_5 = tpu.matmul %get3A_1, %get3A_4, %dot_general3A {dimension_numbers = #tpu.dot_dimension_numbers<[1], [0], [0], [1], [0, 0, 1, 1], [], []>, transpose_lhs_hint = false} : vector<1000x16xf32>, vector<16x128xf32>, vector<1000x128xf32> -> vector<1000x128xf32>
    %get3A_6 = arith.constant 0 : index
    %get3A_7 = arith.constant 0 : index
    %get3A_8 = vector.load %arg3[%get3A_6, %get3A_7] : memref<1x128xf32, #tpu.memory_space<vmem>>, vector<1x128xf32>
    %add3A = vector.broadcast %get3A_8 : vector<1x128xf32> to vector<1000x128xf32>
    %add3A_9 = arith.addf %dot_general3A_5, %add3A : vector<1000x128xf32>
    %max3A = arith.constant 0.000000e+00 : f32
    %max3A_10 = vector.broadcast %max3A : f32 to vector<1000x128xf32>
    %max3A_11 = arith.maximumf %add3A_9, %max3A_10 : vector<1000x128xf32>
    %get3A_12 = arith.constant 0 : index
    %get3A_13 = arith.constant 0 : index
    %get3A_14 = vector.load %arg4[%get3A_12, %get3A_13] : memref<128x128xf32, #tpu.memory_space<vmem>>, vector<128x128xf32>
    %dot_general3A_15 = arith.constant dense<0.000000e+00> : vector<1000x128xf32>
    %dot_general3A_16 = tpu.matmul %max3A_11, %get3A_14, %dot_general3A_15 {dimension_numbers = #tpu.dot_dimension_numbers<[1], [0], [0], [1], [0, 0, 1, 1], [], []>, transpose_lhs_hint = false} : vector<1000x128xf32>, vector<128x128xf32>, vector<1000x128xf32> -> vector<1000x128xf32>
    %get3A_17 = arith.constant 0 : index
    %get3A_18 = arith.constant 0 : index
    %get3A_19 = vector.load %arg5[%get3A_17, %get3A_18] : memref<1x128xf32, #tpu.memory_space<vmem>>, vector<1x128xf32>
    %add3A_20 = vector.broadcast %get3A_19 : vector<1x128xf32> to vector<1000x128xf32>
    %add3A_21 = arith.addf %dot_general3A_16, %add3A_20 : vector<1000x128xf32>
    %get3A_22 = arith.constant 0 : index
    %get3A_23 = arith.constant 0 : index
    %get3A_24 = vector.load %arg6[%get3A_22, %get3A_23] : memref<8x128xf32, #tpu.memory_space<vmem>>, vector<8x128xf32>
    %get3A_25 = arith.constant 0 : index
    %get3A_26 = arith.constant 0 : index
    %get3A_27 = vector.load %arg7[%get3A_25, %get3A_26] : memref<128x128xf32, #tpu.memory_space<vmem>>, vector<128x128xf32>
    %dot_general3A_28 = arith.constant dense<0.000000e+00> : vector<8x128xf32>
    %dot_general3A_29 = tpu.matmul %get3A_24, %get3A_27, %dot_general3A_28 {dimension_numbers = #tpu.dot_dimension_numbers<[1], [0], [0], [1], [0, 0, 1, 1], [], []>, transpose_lhs_hint = false} : vector<8x128xf32>, vector<128x128xf32>, vector<8x128xf32> -> vector<8x128xf32>
    %get3A_30 = arith.constant 0 : index
    %get3A_31 = arith.constant 0 : index
    %get3A_32 = vector.load %arg8[%get3A_30, %get3A_31] : memref<1x128xf32, #tpu.memory_space<vmem>>, vector<1x128xf32>
    %add3A_33 = vector.broadcast %get3A_32 : vector<1x128xf32> to vector<8x128xf32>
    %add3A_34 = arith.addf %dot_general3A_29, %add3A_33 : vector<8x128xf32>
    %swap3A = arith.constant 0 : index
    %swap3A_35 = arith.constant 0 : index
    %swap3A_36 = vector.load %arg9[%swap3A, %swap3A_35] : memref<1000x128xf32, #tpu.memory_space<vmem>>, vector<1000x128xf32>
    tpu.vector_store %arg9[%swap3A, %swap3A_35], %add3A_21 {strides = array<i32>} : memref<1000x128xf32, #tpu.memory_space<vmem>>, vector<1000x128xf32>,
    %slice3A = vector.extract_strided_slice %add3A_34 {offsets = [0, 0], sizes = [1, 128], strides = [1, 1]} : vector<8x128xf32> to vector<1x128xf32>
    %add3A_37 = vector.broadcast %slice3A : vector<1x128xf32> to vector<1000x128xf32>
    %add3A_38 = arith.addf %add3A_21, %add3A_37 : vector<1000x128xf32>
    %max3A_39 = arith.constant 0.000000e+00 : f32
    %max3A_40 = vector.broadcast %max3A_39 : f32 to vector<1000x128xf32>
    %max3A_41 = arith.maximumf %add3A_38, %max3A_40 : vector<1000x128xf32>
    %swap3A_42 = arith.constant 0 : index
    %swap3A_43 = arith.constant 0 : index
    %swap3A_44 = arith.constant 0 : index
    %swap3A_45 = vector.load %arg10[%swap3A_42, %swap3A_43, %swap3A_44] : memref<2x1000x128xf32, #tpu.memory_space<vmem>>, vector<1x1000x128xf32>
    %swap3A_46 = vector.shape_cast %swap3A_45 : vector<1x1000x128xf32> to vector<1000x128xf32>
    %swap3A_47 = vector.shape_cast %max3A_41 : vector<1000x128xf32> to vector<1x1000x128xf32>
    tpu.vector_store %arg10[%swap3A_42, %swap3A_43, %swap3A_44], %swap3A_47 {strides = array<i32>} : memref<2x1000x128xf32, #tpu.memory_space<vmem>>, vector<1x1000x128xf32>,
    %slice3A_48 = vector.extract_strided_slice %add3A_34 {offsets = [1, 0], sizes = [1, 128], strides = [1, 1]} : vector<8x128xf32> to vector<1x128xf32>
    %add3A_49 = vector.broadcast %slice3A_48 : vector<1x128xf32> to vector<1000x128xf32>
    %add3A_50 = arith.addf %add3A_21, %add3A_49 : vector<1000x128xf32>
    %max3A_51 = arith.constant 0.000000e+00 : f32
    %max3A_52 = vector.broadcast %max3A_51 : f32 to vector<1000x128xf32>
    %max3A_53 = arith.maximumf %add3A_50, %max3A_52 : vector<1000x128xf32>
    %swap3A_54 = arith.constant 1 : index
    %swap3A_55 = arith.constant 0 : index
    %swap3A_56 = arith.constant 0 : index
    %swap3A_57 = vector.load %arg10[%swap3A_54, %swap3A_55, %swap3A_56] : memref<2x1000x128xf32, #tpu.memory_space<vmem>>, vector<1x1000x128xf32>
    %swap3A_58 = vector.shape_cast %swap3A_57 : vector<1x1000x128xf32> to vector<1000x128xf32>
    %swap3A_59 = vector.shape_cast %max3A_53 : vector<1000x128xf32> to vector<1x1000x128xf32>
    tpu.vector_store %arg10[%swap3A_54, %swap3A_55, %swap3A_56], %swap3A_59 {strides = array<i32>} : memref<2x1000x128xf32, #tpu.memory_space<vmem>>, vector<1x1000x128xf32>,
    return
  }
  func.func @transform_0(%arg0: i32) -> (i32, i32) {
    %c0_i32 = arith.constant 0 : i32
    %c0_i32_0 = arith.constant 0 : i32
    return %arg0, %c0_i32 : i32, i32
  }
  func.func @transform_1(%arg0: i32) -> (i32, i32) {
    %c0_i32 = arith.constant 0 : i32
    %c0_i32_0 = arith.constant 0 : i32
    %c0_i32_1 = arith.constant 0 : i32
    return %c0_i32, %c0_i32_0 : i32, i32
  }
  func.func @transform_2(%arg0: i32) -> (i32, i32) {
    %c0_i32 = arith.constant 0 : i32
    %c0_i32_0 = arith.constant 0 : i32
    %c0_i32_1 = arith.constant 0 : i32
    return %c0_i32, %c0_i32_0 : i32, i32
  }
  func.func @transform_3(%arg0: i32) -> (i32, i32) {
    %c0_i32 = arith.constant 0 : i32
    %c0_i32_0 = arith.constant 0 : i32
    %c0_i32_1 = arith.constant 0 : i32
    return %c0_i32, %c0_i32_0 : i32, i32
  }
  func.func @transform_4(%arg0: i32) -> (i32, i32) {
    %c0_i32 = arith.constant 0 : i32
    %c0_i32_0 = arith.constant 0 : i32
    %c0_i32_1 = arith.constant 0 : i32
    return %c0_i32, %c0_i32_0 : i32, i32
  }
  func.func @transform_5(%arg0: i32) -> (i32, i32) {
    %c0_i32 = arith.constant 0 : i32
    %c0_i32_0 = arith.constant 0 : i32
    %c0_i32_1 = arith.constant 0 : i32
    return %c0_i32, %c0_i32_0 : i32, i32
  }
  func.func @transform_6(%arg0: i32) -> (i32, i32) {
    %c0_i32 = arith.constant 0 : i32
    %c0_i32_0 = arith.constant 0 : i32
    %c0_i32_1 = arith.constant 0 : i32
    return %c0_i32, %c0_i32_0 : i32, i32
  }
  func.func @transform_7(%arg0: i32) -> (i32, i32) {
    %c0_i32 = arith.constant 0 : i32
    %c0_i32_0 = arith.constant 0 : i32
    %c0_i32_1 = arith.constant 0 : i32
    return %c0_i32, %c0_i32_0 : i32, i32
  }
  func.func @transform_8(%arg0: i32) -> (i32, i32) {
    %c0_i32 = arith.constant 0 : i32
    %c0_i32_0 = arith.constant 0 : i32
    return %arg0, %c0_i32 : i32, i32
  }
  func.func @transform_9(%arg0: i32) -> (i32, i32, i32) {
    %c0_i32 = arith.constant 0 : i32
    %c0_i32_0 = arith.constant 0 : i32
    %c0_i32_1 = arith.constant 0 : i32
    return %c0_i32, %arg0, %c0_i32_0 : i32, i32, i32
  }
}

module attributes {stable_mosaic.version = 14 : i64} {
  func.func @_conv_table_body(%arg0: i32, %arg1: memref<1000x128xf32, #tpu.memory_space<vmem>>, %arg2: memref<2x1000x128xf32, #tpu.memory_space<vmem>>, %arg3: memref<128x128xf32, #tpu.memory_space<vmem>>, %arg4: memref<1x128xf32, #tpu.memory_space<vmem>>, %arg5: memref<1x128xf32, #tpu.memory_space<vmem>>, %arg6: memref<1x128xf32, #tpu.memory_space<vmem>>, %arg7: memref<128x128xf32, #tpu.memory_space<vmem>>, %arg8: memref<1x128xf32, #tpu.memory_space<vmem>>, %arg9: memref<8x128xf32, #tpu.memory_space<vmem>>, %arg10: memref<128x128xf32, #tpu.memory_space<vmem>>, %arg11: memref<1x128xf32, #tpu.memory_space<vmem>>, %arg12: memref<1000x128xf32, #tpu.memory_space<vmem>>, %arg13: memref<2x1000x128xf32, #tpu.memory_space<vmem>>) attributes {dimension_semantics = [#tpu.dimension_semantics<arbitrary>], iteration_bounds = array<i64: 10>, scalar_prefetch = 0 : i64, scratch_operands = 0 : i64, tpu.core_type = #tpu.core_type<tc>, window_params = [{transform_indices = @transform_0, window_bounds = array<i64: 1000, 128>}, {transform_indices = @transform_1, window_bounds = array<i64: 2, 1000, 128>}, {pipeline_mode = #tpu.pipeline_mode<synchronous>, transform_indices = @transform_2, window_bounds = array<i64: 128, 128>}, {pipeline_mode = #tpu.pipeline_mode<synchronous>, transform_indices = @transform_3, window_bounds = array<i64: 1, 128>}, {pipeline_mode = #tpu.pipeline_mode<synchronous>, transform_indices = @transform_4, window_bounds = array<i64: 1, 128>}, {pipeline_mode = #tpu.pipeline_mode<synchronous>, transform_indices = @transform_5, window_bounds = array<i64: 1, 128>}, {pipeline_mode = #tpu.pipeline_mode<synchronous>, transform_indices = @transform_6, window_bounds = array<i64: 128, 128>}, {pipeline_mode = #tpu.pipeline_mode<synchronous>, transform_indices = @transform_7, window_bounds = array<i64: 1, 128>}, {pipeline_mode = #tpu.pipeline_mode<synchronous>, transform_indices = @transform_8, window_bounds = array<i64: 8, 128>}, {pipeline_mode = #tpu.pipeline_mode<synchronous>, transform_indices = @transform_9, window_bounds = array<i64: 128, 128>}, {pipeline_mode = #tpu.pipeline_mode<synchronous>, transform_indices = @transform_10, window_bounds = array<i64: 1, 128>}, {transform_indices = @transform_11, window_bounds = array<i64: 1000, 128>}, {transform_indices = @transform_12, window_bounds = array<i64: 2, 1000, 128>}]} {
    %get3A = arith.constant 0 : index
    %get3A_0 = arith.constant 0 : index
    %get3A_1 = vector.load %arg1[%get3A, %get3A_0] : memref<1000x128xf32, #tpu.memory_space<vmem>>, vector<1000x128xf32>
    %get3A_2 = arith.constant 0 : index
    %get3A_3 = arith.constant 0 : index
    %get3A_4 = arith.constant 0 : index
    %get3A_5 = vector.load %arg2[%get3A_2, %get3A_3, %get3A_4] : memref<2x1000x128xf32, #tpu.memory_space<vmem>>, vector<1x1000x128xf32>
    %get3A_6 = vector.shape_cast %get3A_5 : vector<1x1000x128xf32> to vector<1000x128xf32>
    %add3A = arith.addf %get3A_1, %get3A_6 : vector<1000x128xf32>
    %get3A_7 = arith.constant 1 : index
    %get3A_8 = arith.constant 0 : index
    %get3A_9 = arith.constant 0 : index
    %get3A_10 = vector.load %arg2[%get3A_7, %get3A_8, %get3A_9] : memref<2x1000x128xf32, #tpu.memory_space<vmem>>, vector<1x1000x128xf32>
    %get3A_11 = vector.shape_cast %get3A_10 : vector<1x1000x128xf32> to vector<1000x128xf32>
    %add3A_12 = arith.addf %add3A, %get3A_11 : vector<1000x128xf32>
    %get3A_13 = arith.constant 0 : index
    %get3A_14 = arith.constant 0 : index
    %get3A_15 = vector.load %arg3[%get3A_13, %get3A_14] : memref<128x128xf32, #tpu.memory_space<vmem>>, vector<128x128xf32>
    %dot_general3A = arith.constant dense<0.000000e+00> : vector<1000x128xf32>
    %dot_general3A_16 = tpu.matmul %add3A_12, %get3A_15, %dot_general3A {dimension_numbers = #tpu.dot_dimension_numbers<[1], [0], [0], [1], [0, 0, 1, 1], [], []>, transpose_lhs_hint = false} : vector<1000x128xf32>, vector<128x128xf32>, vector<1000x128xf32> -> vector<1000x128xf32>
    %get3A_17 = arith.constant 0 : index
    %get3A_18 = arith.constant 0 : index
    %get3A_19 = vector.load %arg4[%get3A_17, %get3A_18] : memref<1x128xf32, #tpu.memory_space<vmem>>, vector<1x128xf32>
    %add3A_20 = vector.broadcast %get3A_19 : vector<1x128xf32> to vector<1000x128xf32>
    %add3A_21 = arith.addf %dot_general3A_16, %add3A_20 : vector<1000x128xf32>
    %max3A = arith.constant 0.000000e+00 : f32
    %max3A_22 = vector.broadcast %max3A : f32 to vector<1000x128xf32>
    %max3A_23 = arith.maximumf %add3A_21, %max3A_22 : vector<1000x128xf32>
    %get3A_24 = arith.constant 0 : index
    %get3A_25 = arith.constant 0 : index
    %get3A_26 = vector.load %arg5[%get3A_24, %get3A_25] : memref<1x128xf32, #tpu.memory_space<vmem>>, vector<1x128xf32>
    %mul3A = vector.broadcast %get3A_26 : vector<1x128xf32> to vector<1000x128xf32>
    %mul3A_27 = arith.mulf %max3A_23, %mul3A : vector<1000x128xf32>
    %get3A_28 = arith.constant 0 : index
    %get3A_29 = arith.constant 0 : index
    %get3A_30 = vector.load %arg6[%get3A_28, %get3A_29] : memref<1x128xf32, #tpu.memory_space<vmem>>, vector<1x128xf32>
    %add3A_31 = vector.broadcast %get3A_30 : vector<1x128xf32> to vector<1000x128xf32>
    %add3A_32 = arith.addf %mul3A_27, %add3A_31 : vector<1000x128xf32>
    %get3A_33 = arith.constant 0 : index
    %get3A_34 = arith.constant 0 : index
    %get3A_35 = vector.load %arg7[%get3A_33, %get3A_34] : memref<128x128xf32, #tpu.memory_space<vmem>>, vector<128x128xf32>
    %dot_general3A_36 = arith.constant dense<0.000000e+00> : vector<1000x128xf32>
    %dot_general3A_37 = tpu.matmul %add3A_32, %get3A_35, %dot_general3A_36 {dimension_numbers = #tpu.dot_dimension_numbers<[1], [0], [0], [1], [0, 0, 1, 1], [], []>, transpose_lhs_hint = false} : vector<1000x128xf32>, vector<128x128xf32>, vector<1000x128xf32> -> vector<1000x128xf32>
    %get3A_38 = arith.constant 0 : index
    %get3A_39 = arith.constant 0 : index
    %get3A_40 = vector.load %arg8[%get3A_38, %get3A_39] : memref<1x128xf32, #tpu.memory_space<vmem>>, vector<1x128xf32>
    %add3A_41 = vector.broadcast %get3A_40 : vector<1x128xf32> to vector<1000x128xf32>
    %add3A_42 = arith.addf %dot_general3A_37, %add3A_41 : vector<1000x128xf32>
    %mul3A_43 = arith.constant 0.00999999977 : f32
    %mul3A_44 = vector.broadcast %mul3A_43 : f32 to vector<1000x128xf32>
    %mul3A_45 = arith.mulf %mul3A_44, %add3A_42 : vector<1000x128xf32>
    %max3A_46 = arith.maximumf %add3A_42, %mul3A_45 : vector<1000x128xf32>
    %get3A_47 = arith.constant 0 : index
    %get3A_48 = arith.constant 0 : index
    %get3A_49 = vector.load %arg9[%get3A_47, %get3A_48] : memref<8x128xf32, #tpu.memory_space<vmem>>, vector<8x128xf32>
    %get3A_50 = arith.constant 0 : index
    %get3A_51 = arith.constant 0 : index
    %get3A_52 = vector.load %arg10[%get3A_50, %get3A_51] : memref<128x128xf32, #tpu.memory_space<vmem>>, vector<128x128xf32>
    %dot_general3A_53 = arith.constant dense<0.000000e+00> : vector<8x128xf32>
    %dot_general3A_54 = tpu.matmul %get3A_49, %get3A_52, %dot_general3A_53 {dimension_numbers = #tpu.dot_dimension_numbers<[1], [0], [0], [1], [0, 0, 1, 1], [], []>, transpose_lhs_hint = false} : vector<8x128xf32>, vector<128x128xf32>, vector<8x128xf32> -> vector<8x128xf32>
    %get3A_55 = arith.constant 0 : index
    %get3A_56 = arith.constant 0 : index
    %get3A_57 = vector.load %arg11[%get3A_55, %get3A_56] : memref<1x128xf32, #tpu.memory_space<vmem>>, vector<1x128xf32>
    %add3A_58 = vector.broadcast %get3A_57 : vector<1x128xf32> to vector<8x128xf32>
    %add3A_59 = arith.addf %dot_general3A_54, %add3A_58 : vector<8x128xf32>
    %swap3A = arith.constant 0 : index
    %swap3A_60 = arith.constant 0 : index
    %swap3A_61 = vector.load %arg12[%swap3A, %swap3A_60] : memref<1000x128xf32, #tpu.memory_space<vmem>>, vector<1000x128xf32>
    tpu.vector_store %arg12[%swap3A, %swap3A_60], %max3A_46 {strides = array<i32>} : memref<1000x128xf32, #tpu.memory_space<vmem>>, vector<1000x128xf32>,
    %slice3A = vector.extract_strided_slice %add3A_59 {offsets = [0, 0], sizes = [1, 128], strides = [1, 1]} : vector<8x128xf32> to vector<1x128xf32>
    %add3A_62 = vector.broadcast %slice3A : vector<1x128xf32> to vector<1000x128xf32>
    %add3A_63 = arith.addf %max3A_46, %add3A_62 : vector<1000x128xf32>
    %max3A_64 = arith.constant 0.000000e+00 : f32
    %max3A_65 = vector.broadcast %max3A_64 : f32 to vector<1000x128xf32>
    %max3A_66 = arith.maximumf %add3A_63, %max3A_65 : vector<1000x128xf32>
    %swap3A_67 = arith.constant 0 : index
    %swap3A_68 = arith.constant 0 : index
    %swap3A_69 = arith.constant 0 : index
    %swap3A_70 = vector.load %arg13[%swap3A_67, %swap3A_68, %swap3A_69] : memref<2x1000x128xf32, #tpu.memory_space<vmem>>, vector<1x1000x128xf32>
    %swap3A_71 = vector.shape_cast %swap3A_70 : vector<1x1000x128xf32> to vector<1000x128xf32>
    %swap3A_72 = vector.shape_cast %max3A_66 : vector<1000x128xf32> to vector<1x1000x128xf32>
    tpu.vector_store %arg13[%swap3A_67, %swap3A_68, %swap3A_69], %swap3A_72 {strides = array<i32>} : memref<2x1000x128xf32, #tpu.memory_space<vmem>>, vector<1x1000x128xf32>,
    %slice3A_73 = vector.extract_strided_slice %add3A_59 {offsets = [1, 0], sizes = [1, 128], strides = [1, 1]} : vector<8x128xf32> to vector<1x128xf32>
    %add3A_74 = vector.broadcast %slice3A_73 : vector<1x128xf32> to vector<1000x128xf32>
    %add3A_75 = arith.addf %max3A_46, %add3A_74 : vector<1000x128xf32>
    %max3A_76 = arith.constant 0.000000e+00 : f32
    %max3A_77 = vector.broadcast %max3A_76 : f32 to vector<1000x128xf32>
    %max3A_78 = arith.maximumf %add3A_75, %max3A_77 : vector<1000x128xf32>
    %swap3A_79 = arith.constant 1 : index
    %swap3A_80 = arith.constant 0 : index
    %swap3A_81 = arith.constant 0 : index
    %swap3A_82 = vector.load %arg13[%swap3A_79, %swap3A_80, %swap3A_81] : memref<2x1000x128xf32, #tpu.memory_space<vmem>>, vector<1x1000x128xf32>
    %swap3A_83 = vector.shape_cast %swap3A_82 : vector<1x1000x128xf32> to vector<1000x128xf32>
    %swap3A_84 = vector.shape_cast %max3A_78 : vector<1000x128xf32> to vector<1x1000x128xf32>
    tpu.vector_store %arg13[%swap3A_79, %swap3A_80, %swap3A_81], %swap3A_84 {strides = array<i32>} : memref<2x1000x128xf32, #tpu.memory_space<vmem>>, vector<1x1000x128xf32>,
    return
  }
  func.func @transform_0(%arg0: i32) -> (i32, i32) {
    %c0_i32 = arith.constant 0 : i32
    %c0_i32_0 = arith.constant 0 : i32
    return %arg0, %c0_i32 : i32, i32
  }
  func.func @transform_1(%arg0: i32) -> (i32, i32, i32) {
    %c0_i32 = arith.constant 0 : i32
    %c0_i32_0 = arith.constant 0 : i32
    %c0_i32_1 = arith.constant 0 : i32
    return %c0_i32, %arg0, %c0_i32_0 : i32, i32, i32
  }
  func.func @transform_2(%arg0: i32) -> (i32, i32) {
    %c0_i32 = arith.constant 0 : i32
    %c0_i32_0 = arith.constant 0 : i32
    %c0_i32_1 = arith.constant 0 : i32
    return %c0_i32, %c0_i32_0 : i32, i32
  }
  func.func @transform_3(%arg0: i32) -> (i32, i32) {
    %c0_i32 = arith.constant 0 : i32
    %c0_i32_0 = arith.constant 0 : i32
    %c0_i32_1 = arith.constant 0 : i32
    return %c0_i32, %c0_i32_0 : i32, i32
  }
  func.func @transform_4(%arg0: i32) -> (i32, i32) {
    %c0_i32 = arith.constant 0 : i32
    %c0_i32_0 = arith.constant 0 : i32
    %c0_i32_1 = arith.constant 0 : i32
    return %c0_i32, %c0_i32_0 : i32, i32
  }
  func.func @transform_5(%arg0: i32) -> (i32, i32) {
    %c0_i32 = arith.constant 0 : i32
    %c0_i32_0 = arith.constant 0 : i32
    %c0_i32_1 = arith.constant 0 : i32
    return %c0_i32, %c0_i32_0 : i32, i32
  }
  func.func @transform_6(%arg0: i32) -> (i32, i32) {
    %c0_i32 = arith.constant 0 : i32
    %c0_i32_0 = arith.constant 0 : i32
    %c0_i32_1 = arith.constant 0 : i32
    return %c0_i32, %c0_i32_0 : i32, i32
  }
  func.func @transform_7(%arg0: i32) -> (i32, i32) {
    %c0_i32 = arith.constant 0 : i32
    %c0_i32_0 = arith.constant 0 : i32
    %c0_i32_1 = arith.constant 0 : i32
    return %c0_i32, %c0_i32_0 : i32, i32
  }
  func.func @transform_8(%arg0: i32) -> (i32, i32) {
    %c0_i32 = arith.constant 0 : i32
    %c0_i32_0 = arith.constant 0 : i32
    %c0_i32_1 = arith.constant 0 : i32
    return %c0_i32, %c0_i32_0 : i32, i32
  }
  func.func @transform_9(%arg0: i32) -> (i32, i32) {
    %c0_i32 = arith.constant 0 : i32
    %c0_i32_0 = arith.constant 0 : i32
    %c0_i32_1 = arith.constant 0 : i32
    return %c0_i32, %c0_i32_0 : i32, i32
  }
  func.func @transform_10(%arg0: i32) -> (i32, i32) {
    %c0_i32 = arith.constant 0 : i32
    %c0_i32_0 = arith.constant 0 : i32
    %c0_i32_1 = arith.constant 0 : i32
    return %c0_i32, %c0_i32_0 : i32, i32
  }
  func.func @transform_11(%arg0: i32) -> (i32, i32) {
    %c0_i32 = arith.constant 0 : i32
    %c0_i32_0 = arith.constant 0 : i32
    return %arg0, %c0_i32 : i32, i32
  }
  func.func @transform_12(%arg0: i32) -> (i32, i32, i32) {
    %c0_i32 = arith.constant 0 : i32
    %c0_i32_0 = arith.constant 0 : i32
    %c0_i32_1 = arith.constant 0 : i32
    return %c0_i32, %arg0, %c0_i32_0 : i32, i32, i32
  }
}

module attributes {stable_mosaic.version = 14 : i64} {
  func.func @_final_body(%arg0: i32, %arg1: memref<1000x128xf32, #tpu.memory_space<vmem>>, %arg2: memref<2x1000x128xf32, #tpu.memory_space<vmem>>, %arg3: memref<128x128xf32, #tpu.memory_space<vmem>>, %arg4: memref<1x128xf32, #tpu.memory_space<vmem>>, %arg5: memref<1x128xf32, #tpu.memory_space<vmem>>, %arg6: memref<1x128xf32, #tpu.memory_space<vmem>>, %arg7: memref<128x128xf32, #tpu.memory_space<vmem>>, %arg8: memref<1x128xf32, #tpu.memory_space<vmem>>, %arg9: memref<1x1x1000xi32, #tpu.memory_space<vmem>>, %arg10: memref<128x64xf32, #tpu.memory_space<vmem>>, %arg11: memref<1x64xf32, #tpu.memory_space<vmem>>, %arg12: memref<1x64xf32, #tpu.memory_space<vmem>>, %arg13: memref<1x1xf32, #tpu.memory_space<vmem>>, %arg14: memref<64x1xf32, #tpu.memory_space<vmem>>, %arg15: memref<64x128xf32, #tpu.memory_space<vmem>>, %arg16: memref<64x128xf32, #tpu.memory_space<vmem>>) attributes {dimension_semantics = [#tpu.dimension_semantics<arbitrary>], iteration_bounds = array<i64: 10>, scalar_prefetch = 0 : i64, scratch_operands = 2 : i64, tpu.core_type = #tpu.core_type<tc>, window_params = [{transform_indices = @transform_0, window_bounds = array<i64: 1000, 128>}, {transform_indices = @transform_1, window_bounds = array<i64: 2, 1000, 128>}, {pipeline_mode = #tpu.pipeline_mode<synchronous>, transform_indices = @transform_2, window_bounds = array<i64: 128, 128>}, {pipeline_mode = #tpu.pipeline_mode<synchronous>, transform_indices = @transform_3, window_bounds = array<i64: 1, 128>}, {pipeline_mode = #tpu.pipeline_mode<synchronous>, transform_indices = @transform_4, window_bounds = array<i64: 1, 128>}, {pipeline_mode = #tpu.pipeline_mode<synchronous>, transform_indices = @transform_5, window_bounds = array<i64: 1, 128>}, {pipeline_mode = #tpu.pipeline_mode<synchronous>, transform_indices = @transform_6, window_bounds = array<i64: 128, 128>}, {pipeline_mode = #tpu.pipeline_mode<synchronous>, transform_indices = @transform_7, window_bounds = array<i64: 1, 128>}, {transform_indices = @transform_8, window_bounds = array<i64: 1, 1, 1000>}, {pipeline_mode = #tpu.pipeline_mode<synchronous>, transform_indices = @transform_9, window_bounds = array<i64: 128, 64>}, {pipeline_mode = #tpu.pipeline_mode<synchronous>, transform_indices = @transform_10, window_bounds = array<i64: 1, 64>}, {pipeline_mode = #tpu.pipeline_mode<synchronous>, transform_indices = @transform_11, window_bounds = array<i64: 1, 64>}, {pipeline_mode = #tpu.pipeline_mode<synchronous>, transform_indices = @transform_12, window_bounds = array<i64: 1, 1>}, {pipeline_mode = #tpu.pipeline_mode<synchronous>, transform_indices = @transform_13, window_bounds = array<i64: 64, 1>}]} {
    %eq3A = arith.constant 0 : i32
    %eq3A_0 = arith.cmpi eq, %arg0, %eq3A : i32
    %convert_element_type3A = arith.extui %eq3A_0 : i1 to i32
    %cond3A = arith.constant 0 : i32
    %cond3A_1 = arith.cmpi ne, %convert_element_type3A, %cond3A : i32
    scf.if %cond3A_1 {
      %broadcast_in_dim3A_82 = arith.constant 0.000000e+00 : f32
      %broadcast_in_dim3A_83 = vector.broadcast %broadcast_in_dim3A_82 : f32 to vector<64x128xf32>
      %swap3A_84 = arith.constant 0 : index
      %swap3A_85 = arith.constant 0 : index
      %swap3A_86 = vector.load %arg15[%swap3A_84, %swap3A_85] : memref<64x128xf32, #tpu.memory_space<vmem>>, vector<64x128xf32>
      tpu.vector_store %arg15[%swap3A_84, %swap3A_85], %broadcast_in_dim3A_83 {strides = array<i32>} : memref<64x128xf32, #tpu.memory_space<vmem>>, vector<64x128xf32>,
      %broadcast_in_dim3A_87 = arith.constant 0.000000e+00 : f32
      %broadcast_in_dim3A_88 = vector.broadcast %broadcast_in_dim3A_87 : f32 to vector<64x128xf32>
      %swap3A_89 = arith.constant 0 : index
      %swap3A_90 = arith.constant 0 : index
      %swap3A_91 = vector.load %arg16[%swap3A_89, %swap3A_90] : memref<64x128xf32, #tpu.memory_space<vmem>>, vector<64x128xf32>
      tpu.vector_store %arg16[%swap3A_89, %swap3A_90], %broadcast_in_dim3A_88 {strides = array<i32>} : memref<64x128xf32, #tpu.memory_space<vmem>>, vector<64x128xf32>,
    } else {
    }
    %get3A = arith.constant 0 : index
    %get3A_2 = arith.constant 0 : index
    %get3A_3 = vector.load %arg1[%get3A, %get3A_2] : memref<1000x128xf32, #tpu.memory_space<vmem>>, vector<1000x128xf32>
    %get3A_4 = arith.constant 0 : index
    %get3A_5 = arith.constant 0 : index
    %get3A_6 = arith.constant 0 : index
    %get3A_7 = vector.load %arg2[%get3A_4, %get3A_5, %get3A_6] : memref<2x1000x128xf32, #tpu.memory_space<vmem>>, vector<1x1000x128xf32>
    %get3A_8 = vector.shape_cast %get3A_7 : vector<1x1000x128xf32> to vector<1000x128xf32>
    %add3A = arith.addf %get3A_3, %get3A_8 : vector<1000x128xf32>
    %get3A_9 = arith.constant 1 : index
    %get3A_10 = arith.constant 0 : index
    %get3A_11 = arith.constant 0 : index
    %get3A_12 = vector.load %arg2[%get3A_9, %get3A_10, %get3A_11] : memref<2x1000x128xf32, #tpu.memory_space<vmem>>, vector<1x1000x128xf32>
    %get3A_13 = vector.shape_cast %get3A_12 : vector<1x1000x128xf32> to vector<1000x128xf32>
    %add3A_14 = arith.addf %add3A, %get3A_13 : vector<1000x128xf32>
    %get3A_15 = arith.constant 0 : index
    %get3A_16 = arith.constant 0 : index
    %get3A_17 = vector.load %arg3[%get3A_15, %get3A_16] : memref<128x128xf32, #tpu.memory_space<vmem>>, vector<128x128xf32>
    %dot_general3A = arith.constant dense<0.000000e+00> : vector<1000x128xf32>
    %dot_general3A_18 = tpu.matmul %add3A_14, %get3A_17, %dot_general3A {dimension_numbers = #tpu.dot_dimension_numbers<[1], [0], [0], [1], [0, 0, 1, 1], [], []>, transpose_lhs_hint = false} : vector<1000x128xf32>, vector<128x128xf32>, vector<1000x128xf32> -> vector<1000x128xf32>
    %get3A_19 = arith.constant 0 : index
    %get3A_20 = arith.constant 0 : index
    %get3A_21 = vector.load %arg4[%get3A_19, %get3A_20] : memref<1x128xf32, #tpu.memory_space<vmem>>, vector<1x128xf32>
    %add3A_22 = vector.broadcast %get3A_21 : vector<1x128xf32> to vector<1000x128xf32>
    %add3A_23 = arith.addf %dot_general3A_18, %add3A_22 : vector<1000x128xf32>
    %max3A = arith.constant 0.000000e+00 : f32
    %max3A_24 = vector.broadcast %max3A : f32 to vector<1000x128xf32>
    %max3A_25 = arith.maximumf %add3A_23, %max3A_24 : vector<1000x128xf32>
    %get3A_26 = arith.constant 0 : index
    %get3A_27 = arith.constant 0 : index
    %get3A_28 = vector.load %arg5[%get3A_26, %get3A_27] : memref<1x128xf32, #tpu.memory_space<vmem>>, vector<1x128xf32>
    %mul3A = vector.broadcast %get3A_28 : vector<1x128xf32> to vector<1000x128xf32>
    %mul3A_29 = arith.mulf %max3A_25, %mul3A : vector<1000x128xf32>
    %get3A_30 = arith.constant 0 : index
    %get3A_31 = arith.constant 0 : index
    %get3A_32 = vector.load %arg6[%get3A_30, %get3A_31] : memref<1x128xf32, #tpu.memory_space<vmem>>, vector<1x128xf32>
    %add3A_33 = vector.broadcast %get3A_32 : vector<1x128xf32> to vector<1000x128xf32>
    %add3A_34 = arith.addf %mul3A_29, %add3A_33 : vector<1000x128xf32>
    %get3A_35 = arith.constant 0 : index
    %get3A_36 = arith.constant 0 : index
    %get3A_37 = vector.load %arg7[%get3A_35, %get3A_36] : memref<128x128xf32, #tpu.memory_space<vmem>>, vector<128x128xf32>
    %dot_general3A_38 = arith.constant dense<0.000000e+00> : vector<1000x128xf32>
    %dot_general3A_39 = tpu.matmul %add3A_34, %get3A_37, %dot_general3A_38 {dimension_numbers = #tpu.dot_dimension_numbers<[1], [0], [0], [1], [0, 0, 1, 1], [], []>, transpose_lhs_hint = false} : vector<1000x128xf32>, vector<128x128xf32>, vector<1000x128xf32> -> vector<1000x128xf32>
    %get3A_40 = arith.constant 0 : index
    %get3A_41 = arith.constant 0 : index
    %get3A_42 = vector.load %arg8[%get3A_40, %get3A_41] : memref<1x128xf32, #tpu.memory_space<vmem>>, vector<1x128xf32>
    %add3A_43 = vector.broadcast %get3A_42 : vector<1x128xf32> to vector<1000x128xf32>
    %add3A_44 = arith.addf %dot_general3A_39, %add3A_43 : vector<1000x128xf32>
    %mul3A_45 = arith.constant 0.00999999977 : f32
    %mul3A_46 = vector.broadcast %mul3A_45 : f32 to vector<1000x128xf32>
    %mul3A_47 = arith.mulf %mul3A_46, %add3A_44 : vector<1000x128xf32>
    %max3A_48 = arith.maximumf %add3A_44, %mul3A_47 : vector<1000x128xf32>
    %get3A_49 = arith.constant 0 : index
    %get3A_50 = arith.constant 0 : index
    %get3A_51 = arith.constant 0 : index
    %get3A_52 = vector.load %arg9[%get3A_49, %get3A_50, %get3A_51] : memref<1x1x1000xi32, #tpu.memory_space<vmem>>, vector<1x1x1000xi32>
    %get3A_53 = vector.shape_cast %get3A_52 : vector<1x1x1000xi32> to vector<1000xi32>
    %iota3A = tpu.iota {dimensions = array<i32: 0>} : vector<64x1000xi32>
    %broadcast_in_dim3A = vector.shape_cast %get3A_53 : vector<1000xi32> to vector<1x1000xi32>
    %eq3A_54 = vector.broadcast %broadcast_in_dim3A : vector<1x1000xi32> to vector<64x1000xi32>
    %eq3A_55 = arith.cmpi eq, %iota3A, %eq3A_54 : vector<64x1000xi32>
    %convert_element_type3A_56 = arith.extui %eq3A_55 : vector<64x1000xi1> to vector<64x1000xi32>
    %convert_element_type3A_57 = arith.sitofp %convert_element_type3A_56 : vector<64x1000xi32> to vector<64x1000xf32>
    %get3A_58 = arith.constant 0 : index
    %get3A_59 = arith.constant 0 : index
    %get3A_60 = vector.load %arg15[%get3A_58, %get3A_59] : memref<64x128xf32, #tpu.memory_space<vmem>>, vector<64x128xf32>
    %dot_general3A_61 = arith.constant dense<0.000000e+00> : vector<64x128xf32>
    %dot_general3A_62 = tpu.matmul %convert_element_type3A_57, %max3A_48, %dot_general3A_61 {dimension_numbers = #tpu.dot_dimension_numbers<[1], [0], [0], [1], [0, 0, 1, 1], [], []>, transpose_lhs_hint = false} : vector<64x1000xf32>, vector<1000x128xf32>, vector<64x128xf32> -> vector<64x128xf32>
    %add3A_63 = arith.addf %get3A_60, %dot_general3A_62 : vector<64x128xf32>
    %swap3A = arith.constant 0 : index
    %swap3A_64 = arith.constant 0 : index
    %swap3A_65 = vector.load %arg15[%swap3A, %swap3A_64] : memref<64x128xf32, #tpu.memory_space<vmem>>, vector<64x128xf32>
    tpu.vector_store %arg15[%swap3A, %swap3A_64], %add3A_63 {strides = array<i32>} : memref<64x128xf32, #tpu.memory_space<vmem>>, vector<64x128xf32>,
    %get3A_66 = arith.constant 0 : index
    %get3A_67 = arith.constant 0 : index
    %get3A_68 = vector.load %arg16[%get3A_66, %get3A_67] : memref<64x128xf32, #tpu.memory_space<vmem>>, vector<64x128xf32>
    %reduce_sum3A = arith.constant dense<0.000000e+00> : vector<64xf32>
    %reduce_sum3A_69 = vector.multi_reduction <add>, %convert_element_type3A_57, %reduce_sum3A [1] : vector<64x1000xf32> to vector<64xf32>
    %broadcast_in_dim3A_70 = vector.shape_cast %reduce_sum3A_69 : vector<64xf32> to vector<64x1xf32>
    %broadcast_in_dim3A_71 = vector.shape_cast %broadcast_in_dim3A_70 : vector<64x1xf32> to vector<64x1xf32>
    %broadcast_in_dim3A_72 = vector.broadcast %broadcast_in_dim3A_71 : vector<64x1xf32> to vector<64x128xf32>
    %add3A_73 = arith.addf %get3A_68, %broadcast_in_dim3A_72 : vector<64x128xf32>
    %swap3A_74 = arith.constant 0 : index
    %swap3A_75 = arith.constant 0 : index
    %swap3A_76 = vector.load %arg16[%swap3A_74, %swap3A_75] : memref<64x128xf32, #tpu.memory_space<vmem>>, vector<64x128xf32>
    tpu.vector_store %arg16[%swap3A_74, %swap3A_75], %add3A_73 {strides = array<i32>} : memref<64x128xf32, #tpu.memory_space<vmem>>, vector<64x128xf32>,
    %eq3A_77 = arith.constant 9 : i32
    %eq3A_78 = arith.cmpi eq, %arg0, %eq3A_77 : i32
    %convert_element_type3A_79 = arith.extui %eq3A_78 : i1 to i32
    %cond3A_80 = arith.constant 0 : i32
    %cond3A_81 = arith.cmpi ne, %convert_element_type3A_79, %cond3A_80 : i32
    scf.if %cond3A_81 {
      %get3A_82 = arith.constant 0 : index
      %get3A_83 = arith.constant 0 : index
      %get3A_84 = vector.load %arg15[%get3A_82, %get3A_83] : memref<64x128xf32, #tpu.memory_space<vmem>>, vector<64x128xf32>
      %get3A_85 = arith.constant 0 : index
      %get3A_86 = arith.constant 0 : index
      %get3A_87 = vector.load %arg16[%get3A_85, %get3A_86] : memref<64x128xf32, #tpu.memory_space<vmem>>, vector<64x128xf32>
      %max3A_88 = arith.constant 1.000000e+00 : f32
      %max3A_89 = vector.broadcast %max3A_88 : f32 to vector<64x128xf32>
      %max3A_90 = arith.maximumf %get3A_87, %max3A_89 : vector<64x128xf32>
      %div3A = arith.divf %get3A_84, %max3A_90 : vector<64x128xf32>
      %get3A_91 = arith.constant 0 : index
      %get3A_92 = arith.constant 0 : index
      %get3A_93 = vector.load %arg10[%get3A_91, %get3A_92] : memref<128x64xf32, #tpu.memory_space<vmem>>, vector<128x64xf32>
      %dot_general3A_94 = arith.constant dense<0.000000e+00> : vector<64x64xf32>
      %dot_general3A_95 = tpu.matmul %div3A, %get3A_93, %dot_general3A_94 {dimension_numbers = #tpu.dot_dimension_numbers<[1], [0], [0], [1], [0, 0, 1, 1], [], []>, transpose_lhs_hint = false} : vector<64x128xf32>, vector<128x64xf32>, vector<64x64xf32> -> vector<64x64xf32>
      %get3A_96 = arith.constant 0 : index
      %get3A_97 = arith.constant 0 : index
      %get3A_98 = vector.load %arg11[%get3A_96, %get3A_97] : memref<1x64xf32, #tpu.memory_space<vmem>>, vector<1x64xf32>
      %add3A_99 = vector.broadcast %get3A_98 : vector<1x64xf32> to vector<64x64xf32>
      %add3A_100 = arith.addf %dot_general3A_95, %add3A_99 : vector<64x64xf32>
      %max3A_101 = arith.constant 0.000000e+00 : f32
      %max3A_102 = vector.broadcast %max3A_101 : f32 to vector<64x64xf32>
      %max3A_103 = arith.maximumf %add3A_100, %max3A_102 : vector<64x64xf32>
      %get3A_104 = arith.constant 0 : index
      %get3A_105 = arith.constant 0 : index
      %get3A_106 = vector.load %arg12[%get3A_104, %get3A_105] : memref<1x64xf32, #tpu.memory_space<vmem>>, vector<1x64xf32>
      %mul3A_107 = vector.broadcast %get3A_106 : vector<1x64xf32> to vector<64x64xf32>
      %mul3A_108 = arith.mulf %max3A_103, %mul3A_107 : vector<64x64xf32>
      %reduce_sum3A_109 = arith.constant dense<0.000000e+00> : vector<64xf32>
      %reduce_sum3A_110 = vector.multi_reduction <add>, %mul3A_108, %reduce_sum3A_109 [1] : vector<64x64xf32> to vector<64xf32>
      %broadcast_in_dim3A_111 = vector.shape_cast %reduce_sum3A_110 : vector<64xf32> to vector<64x1xf32>
      %get3A_112 = arith.constant 0 : index
      %get3A_113 = arith.constant 0 : index
      %get3A_114 = vector.load %arg13[%get3A_112, %get3A_113] : memref<1x1xf32, #tpu.memory_space<vmem>>, vector<1x1xf32>
      %add3A_115 = vector.broadcast %get3A_114 : vector<1x1xf32> to vector<64x1xf32>
      %add3A_116 = arith.addf %broadcast_in_dim3A_111, %add3A_115 : vector<64x1xf32>
      %logistic3A = arith.negf %add3A_116 : vector<64x1xf32>
      %logistic3A_117 = math.exp %logistic3A : vector<64x1xf32>
      %logistic3A_118 = arith.constant 1.000000e+00 : f32
      %logistic3A_119 = vector.broadcast %logistic3A_118 : f32 to vector<64x1xf32>
      %logistic3A_120 = arith.addf %logistic3A_119, %logistic3A_117 : vector<64x1xf32>
      %logistic3A_121 = arith.divf %logistic3A_119, %logistic3A_120 : vector<64x1xf32>
      %swap3A_122 = arith.constant 0 : index
      %swap3A_123 = arith.constant 0 : index
      %swap3A_124 = vector.load %arg14[%swap3A_122, %swap3A_123] : memref<64x1xf32, #tpu.memory_space<vmem>>, vector<64x1xf32>
      tpu.vector_store %arg14[%swap3A_122, %swap3A_123], %logistic3A_121 {strides = array<i32>} : memref<64x1xf32, #tpu.memory_space<vmem>>, vector<64x1xf32>,
    } else {
    }
    return
  }
  func.func @transform_0(%arg0: i32) -> (i32, i32) {
    %c0_i32 = arith.constant 0 : i32
    %c0_i32_0 = arith.constant 0 : i32
    return %arg0, %c0_i32 : i32, i32
  }
  func.func @transform_1(%arg0: i32) -> (i32, i32, i32) {
    %c0_i32 = arith.constant 0 : i32
    %c0_i32_0 = arith.constant 0 : i32
    %c0_i32_1 = arith.constant 0 : i32
    return %c0_i32, %arg0, %c0_i32_0 : i32, i32, i32
  }
  func.func @transform_2(%arg0: i32) -> (i32, i32) {
    %c0_i32 = arith.constant 0 : i32
    %c0_i32_0 = arith.constant 0 : i32
    %c0_i32_1 = arith.constant 0 : i32
    return %c0_i32, %c0_i32_0 : i32, i32
  }
  func.func @transform_3(%arg0: i32) -> (i32, i32) {
    %c0_i32 = arith.constant 0 : i32
    %c0_i32_0 = arith.constant 0 : i32
    %c0_i32_1 = arith.constant 0 : i32
    return %c0_i32, %c0_i32_0 : i32, i32
  }
  func.func @transform_4(%arg0: i32) -> (i32, i32) {
    %c0_i32 = arith.constant 0 : i32
    %c0_i32_0 = arith.constant 0 : i32
    %c0_i32_1 = arith.constant 0 : i32
    return %c0_i32, %c0_i32_0 : i32, i32
  }
  func.func @transform_5(%arg0: i32) -> (i32, i32) {
    %c0_i32 = arith.constant 0 : i32
    %c0_i32_0 = arith.constant 0 : i32
    %c0_i32_1 = arith.constant 0 : i32
    return %c0_i32, %c0_i32_0 : i32, i32
  }
  func.func @transform_6(%arg0: i32) -> (i32, i32) {
    %c0_i32 = arith.constant 0 : i32
    %c0_i32_0 = arith.constant 0 : i32
    %c0_i32_1 = arith.constant 0 : i32
    return %c0_i32, %c0_i32_0 : i32, i32
  }
  func.func @transform_7(%arg0: i32) -> (i32, i32) {
    %c0_i32 = arith.constant 0 : i32
    %c0_i32_0 = arith.constant 0 : i32
    %c0_i32_1 = arith.constant 0 : i32
    return %c0_i32, %c0_i32_0 : i32, i32
  }
  func.func @transform_8(%arg0: i32) -> (i32, i32, i32) {
    %c0_i32 = arith.constant 0 : i32
    %c0_i32_0 = arith.constant 0 : i32
    %c0_i32_1 = arith.constant 0 : i32
    return %arg0, %c0_i32, %c0_i32_0 : i32, i32, i32
  }
  func.func @transform_9(%arg0: i32) -> (i32, i32) {
    %c0_i32 = arith.constant 0 : i32
    %c0_i32_0 = arith.constant 0 : i32
    %c0_i32_1 = arith.constant 0 : i32
    return %c0_i32, %c0_i32_0 : i32, i32
  }
  func.func @transform_10(%arg0: i32) -> (i32, i32) {
    %c0_i32 = arith.constant 0 : i32
    %c0_i32_0 = arith.constant 0 : i32
    %c0_i32_1 = arith.constant 0 : i32
    return %c0_i32, %c0_i32_0 : i32, i32
  }
  func.func @transform_11(%arg0: i32) -> (i32, i32) {
    %c0_i32 = arith.constant 0 : i32
    %c0_i32_0 = arith.constant 0 : i32
    %c0_i32_1 = arith.constant 0 : i32
    return %c0_i32, %c0_i32_0 : i32, i32
  }
  func.func @transform_12(%arg0: i32) -> (i32, i32) {
    %c0_i32 = arith.constant 0 : i32
    %c0_i32_0 = arith.constant 0 : i32
    %c0_i32_1 = arith.constant 0 : i32
    return %c0_i32, %c0_i32_0 : i32, i32
  }
  func.func @transform_13(%arg0: i32) -> (i32, i32) {
    %c0_i32 = arith.constant 0 : i32
    %c0_i32_0 = arith.constant 0 : i32
    %c0_i32_1 = arith.constant 0 : i32
    return %c0_i32, %c0_i32_0 : i32, i32
  }
}

</mosaic_0001>

<sc_bundles>
// kernel: kernel.11.cloned.1.call-start
scs
__scs_entry_jumppad:
0x0: {  	(pc) =	sbr.rel $0x88, $3  }
0x1: {  	(tag) =	ssettag $0x0;
	lr =	simm.s32 $0x1  }
0x2: {  	[smem:$0x3F83] =	sst lr;
	_ =	strace $0xD0000000  }
0x3: {  	_ = 	snop  }
0x4: {  	_ = 	snop  }
0x5: {  	_ = 	snop  }
0x6: {  	_ = 	snop  }
0x7: {  	_ = 	snop  }
__scs_overlays_trampoline_lowered:
0x8: {  	[smem:$0x3F92] =	sst s0  }
0x9: {  	[smem:$0x3F93] =	sst s1  }
0xa: {  	[smem:$0x3F94] =	sst s2  }
0xb: {  	[smem:$0x3F95] =	sst s3  }
0xc: {  	[smem:$0x3F96] =	sst s4  }
0xd: {  	[smem:$0x3F97] =	sst s5  }
0xe: {  	[smem:$0x3F98] =	sst s6  }
0xf: {  	[smem:$0x3F99] =	sst s7  }
0x10: {  	[smem:$0x3F9A] =	sst s8  }
0x11: {  	[smem:$0x3F9B] =	sst s9;
	s0 =	simm.s32 @!p0 $0x0  }
0x12: {  	s1 =	sld [smem:$0x3F81];
	s0 =	simm.s32 @p0 $0x1  }
0x13: {  	[smem:$0x3F9C] =	sst s0;
	s0 =	simm.s32 @!p1 $0x0  }
0x14: {  	s2 =	sld [smem:$0x3F80];
	s0 =	simm.s32 @p1 $0x1  }
0x15: {  	[smem:$0x3F9D] =	sst s0;
	s0 =	simm.s32 @!p2 $0x0  }
0x16: {  	s3 =	sld [smem:$0x3FDB];
	s0 =	simm.s32 @p2 $0x1  }
0x17: {  	s4 =	simm.s32 $0x1BF5;
	[smem:$0x3F9F] =	sst s0  }
0x18: {  	s0 =	sld [smem:$0x3F82];
	_ =	swait.ge [sflag:s4], $0x0  }
0x19: {  	s7 =	sld [smem:$0x3F83]  }
0x1a: {  	s8 =	sadd.s32 $0xFFFFE003, lr  }
0x1b: {  	s9 =	sadd.s32 $0xFFFFFEF7, lr;
	s5 =	simm.s32 $0xFFFFFFFF;
	p2 =	slt.u32 s8, $0xFFFFF086  }
0x1c: {  	p1 =	slt.u32 s9, $0xF7A;
	s5 =	simm.s32 @!p2 $0x0  }
0x1d: {  	s5 =	simm.s32 @p1 $0x1;
	p0 =	seq.s32 s7, s2  }
0x1e: {  	s7 =	smul.u32 @!p0 $0xF7A, s2;
	p2 =	seq.s32 @!p0 s5, $0x0  }
0x1f: {  	s9 =	smul.u32 $0xF7A, s1;
	s8 =	simm.s32 @!p0 $0x1BF5;
	p2 =	por !p2, p0  }
0x20: {  	[sflag:s8] =	ssyncset.s32 @!p0 $0xFFFFF086;
	s6 =	sadd.s32 @!p0 s3, s7;
	s7 =	simm.s32 @!p0 $0x108  }
0x21: {  	s3 =	sadd.s32 s3, s9;
	s6 =	sadd.s32 @!p0 $0x88, s6;
	s7 =	simm.s32 @p2 $0x1082  }
0x22: {  	[simem:s7], [sflag:s8] =	dma.local @!p0 [hbm:s6], $0xF7A  }
0x23: {  	s9 =	sor.u32 $0xD0000000, s2;
	s6 =	simm.s32 $0x108;
	_ =	swait.ge @!p0 [sflag:s8], $0x0  }
0x24: {  	s3 =	sadd.s32 $0x88, s3;
	s6 =	simm.s32 @!p1 $0x1082;
	[sflag:s4] =	ssyncset.s32 $0xFFFFF086  }
0x25: {  	[simem:s6], [sflag:s4] =	dma.local [hbm:s3], $0xF7A  }
0x26: {  	[smem:$0x3F83] =	sst s1;
	(tag) =	ssettag s2;
	_ =	strace s9  }
0x27: {  	s1 =	sld [smem:$0x3F93]  }
0x28: {  	s2 =	sld [smem:$0x3F94]  }
0x29: {  	s4 =	sld [smem:$0x3F96]  }
0x2a: {  	p0 =	seq.s32 s5, $0x0;
	s5 =	sld [smem:$0x3F97]  }
0x2b: {  	s6 =	sld [smem:$0x3F98]  }
0x2c: {  	s7 =	sld [smem:$0x3F99]  }
0x2d: {  	s3 =	simm.s32 $0x108;
	s8 =	sld [smem:$0x3F9A]  }
0x2e: {  	s3 =	simm.s32 @!p0 $0x1082;
	s9 =	sld [smem:$0x3F9B]  }
0x2f: {  	lr =	sadd.s32 s0, s3;
	s0 =	sld [smem:$0x3F92]  }
0x30: {  	s3 =	sld [smem:$0x3F95]  }
0x31: {  	[smem:$0x3F9E] =	sst s10  }
0x32: {  	s10 =	sld [smem:$0x3F9C];
	_ =	sdelay $0x3  }
0x33: {  	p0 =	seq.s32 s10, $0x1;
	s10 =	sld [smem:$0x3F9E];
	_ =	sdelay $0x3  }
0x34: {  	[smem:$0x3F9E] =	sst s10  }
0x35: {  	s10 =	sld [smem:$0x3F9D];
	_ =	sdelay $0x3  }
0x36: {  	p1 =	seq.s32 s10, $0x1;
	s10 =	sld [smem:$0x3F9E];
	_ =	sdelay $0x3  }
0x37: {  	[smem:$0x3F9E] =	sst s10  }
0x38: {  	s10 =	sld [smem:$0x3F9F]  }
0x39: {  	_ = 	snop;
	(pc) =	sbr.ind lr, $3  }
0x3a: {  	_ = 	snop  }
0x3b: {  	_ = 	snop  }
0x3c: {  	p2 =	seq.s32 s10, $0x1;
	s10 =	sld [smem:$0x3F9E]  }
0x3d: {  	_ =	shalt  }
0x3e: {  	_ =	shalt  }
0x3f: {  	_ =	shalt  }
0x40: {  	_ =	shalt  }
0x41: {  	_ =	shalt  }
0x42: {  	_ =	shalt  }
0x43: {  	_ =	shalt  }
0x44: {  	_ =	shalt  }
0x45: {  	_ =	shalt  }
0x46: {  	_ =	shalt  }
0x47: {  	_ =	shalt  }
0x48: {  	_ =	shalt  }
0x49: {  	_ =	shalt  }
0x4a: {  	_ =	shalt  }
0x4b: {  	_ =	shalt  }
0x4c: {  	_ =	shalt  }
0x4d: {  	_ =	shalt  }
0x4e: {  	_ =	shalt  }
0x4f: {  	_ =	shalt  }
0x50: {  	_ =	shalt  }
0x51: {  	_ =	shalt  }
0x52: {  	_ =	shalt  }
0x53: {  	_ =	shalt  }
0x54: {  	_ =	shalt  }
0x55: {  	_ =	shalt  }
0x56: {  	_ =	shalt  }
0x57: {  	_ =	shalt  }
0x58: {  	_ =	shalt  }
0x59: {  	_ =	shalt  }
0x5a: {  	_ =	shalt  }
0x5b: {  	_ =	shalt  }
0x5c: {  	_ =	shalt  }
0x5d: {  	_ =	shalt  }
0x5e: {  	_ =	shalt  }
0x5f: {  	_ =	shalt  }
0x60: {  	_ =	shalt  }
0x61: {  	_ =	shalt  }
0x62: {  	_ =	shalt  }
0x63: {  	_ =	shalt  }
0x64: {  	_ =	shalt  }
0x65: {  	_ =	shalt  }
0x66: {  	_ =	shalt  }
0x67: {  	_ =	shalt  }
0x68: {  	_ =	shalt  }
0x69: {  	_ =	shalt  }
0x6a: {  	_ =	shalt  }
0x6b: {  	_ =	shalt  }
0x6c: {  	_ =	shalt  }
0x6d: {  	_ =	shalt  }
0x6e: {  	_ =	shalt  }
0x6f: {  	_ =	shalt  }
0x70: {  	_ =	shalt  }
0x71: {  	_ =	shalt  }
0x72: {  	_ =	shalt  }
0x73: {  	_ =	shalt  }
0x74: {  	_ =	shalt  }
0x75: {  	_ =	shalt  }
0x76: {  	_ =	shalt  }
0x77: {  	_ =	shalt  }
0x78: {  	_ =	shalt  }
0x79: {  	_ =	shalt  }
0x7a: {  	_ =	shalt  }
0x7b: {  	_ =	shalt  }
0x7c: {  	_ =	shalt  }
0x7d: {  	_ =	shalt  }
0x7e: {  	_ =	shalt  }
0x7f: {  	_ =	shalt  }
0x80: {  	_ =	shalt  }
0x81: {  	_ =	shalt  }
0x82: {  	_ =	shalt  }
0x83: {  	_ =	shalt  }
0x84: {  	_ =	shalt  }
0x85: {  	_ =	shalt  }
0x86: {  	_ =	shalt  }
0x87: {  	_ =	shalt  }
.Lfunc_end0:
.L_simem_size_0:
called_computation.1_lowered:
.L_overlay_start_0:
0x88: {  	s2 =	sld [smem:$0x3FD9]  }
0x89: {  	s3 =	sld [smem:$0x3FFE];
	_ =	sdelay $0x1  }
0x8a: {  	s1 =	srdreg.scid  }
0x8b: {  	s0 =	sand.u32 $0x1, s1  }
0x8c: {  	s16 =	sshll.u32 s0, $0xA;
	s2 =	sadd.s32 s3, s2  }
0x8d: {  	s2 =	sadd.s32 s2, s16  }
0x8e: {  	[smem:$0x3FAA] =	sst s2  }
0x8f: {  	_ = 	snop  }
0x90: {  	(tm) =	ssettm $0x1  }
0x91: {  	s17 =	sld [smem:$0x3FFB];
	_ =	sdelay $0x3  }
0x92: {  	_ =	strace s17  }
0x93: {  	s2 =	sld [smem:$0x3FFC];
	_ =	sdelay $0x3  }
0x94: {  	_ =	strace s2  }
0x95: {  	s2 =	sld [smem:$0x3FFD];
	_ =	sdelay $0x3  }
0x96: {  	_ =	strace s2  }
0x97: {  	_ =	strace $0x8FFFFFFF  }
0x98: {  	s18 =	sld [smem:$0x3FDB];
	_ =	sdelay $0x1  }
0x99: {  	s19 =	simm.s32 $_scs_section_size  }
0x9a: {  	s4 =	simm.s32 $_size__tile_overlayer_lowered;
	s5 =	simm.s32 $_tile_overlayer_lowered  }
0x9b: {  	s22 =	simm.s32 $0x1BFF;
	s21 =	sshll.u32 s5, $0x1;
	s2 =	sadd.s32 s19, s18  }
0x9c: {  	s6 =	simm.s32 $0x0;
	s20 =	sshll.u32 s4, $0x1;
	s4 =	sadd.s32 s21, s2  }
0x9d: {  	[timem:s6], [sflag:s22] =	dma.local [hbm:s4], s20  }
0x9e: {  	_ =	swait.ge [sflag:s22], s20  }
0x9f: {  	s3 =	ssub.s32 $0x0, s20;
	[sflag:s22] =	ssyncset.done $0x0  }
0xa0: {  	[sflag:s22] =	ssyncadd.s32 s3;
	_ =	sdelay $0x1  }
0xa1: {  	s23 =	simm.s32 $0x1B8B  }
0xa2: {  	_ =	swait.ge [sflag:s23], $0x1  }
0xa3: {  	[sflag:s23] =	ssyncset.done $0x0  }
0xa4: {  	s25 =	simm.s32 $0x1B8E;
	s24 =	sld [smem:$0x3FFE];
	[sflag:s23] =	ssyncadd.s32 $0xFFFFFFFF  }
0xa5: {  	s26 =	simm.s32 $execute0_lowered;
	[smem:$0x3FD2] =	sst s25  }
0xa6: {  	s4 =	sshll.u32 s26, $0x1;
	_ =	strace $0x80000049;
	[dreg:$0x1] =	wrdreg $0xFFFFFFFF  }
0xa7: {  	s28 =	simm.s32 $_size_execute0_lowered;
	s2 =	sadd.s32 s2, s4;
	[dreg:$0x0] =	wrdreg $0x0  }
0xa8: {  	s4 =	sshll.u32 s28, $0x1;
	[dreg:$0x2] =	wrdreg s2  }
0xa9: {  	[dreg:$0x3] =	wrdreg s4  }
0xaa: {  	[dreg:$0x4] =	wrdreg $0xC0  }
0xab: {  	_ =	task [dreg:s6], $0x5FFFF  }
0xac: {  	[dreg:$0x1] =	wrdreg $0xFFFFFFFF  }
0xad: {  	[dreg:$0x0] =	wrdreg $0x60  }
0xae: {  	[dreg:$0x2] =	wrdreg s24  }
0xaf: {  	[dreg:$0x3] =	wrdreg $0xBF000  }
0xb0: {  	[dreg:$0x4] =	wrdreg $0x9  }
0xb1: {  	_ =	task.clear_ibuf [dreg:s6], $0x5FFFF;
	_ =	strace $0x90000049  }
0xb2: {  	s29 =	simm.s32 $0x9;
	_ =	strace $0x8000004B  }
0xb3: {  	_ =	swait.ge [sflag:s29], $0x1  }
0xb4: {  	[sflag:s29] =	ssyncadd.s32 $0xFFFFFFFF  }
0xb5: {  	_ =	strace $0x9000004B  }
0xb6: {  	_ =	sfence  }
0xb7: {  	s30 =	sld [smem:$0x0];
	_ =	sdelay $0x2  }
0xb8: {  	s31 =	sshll.u32 s1, $0xD;
	s1 =	sshrl.u32 s1, $0x2  }
0xb9: {  	s3 =	sand.u32 $0x4000, s31;
	s1 =	sadd.s32 s1, s30  }
0xba: {  	s0 =	sor.u32 s3, s0;
	s1 =	sshll.u32 s1, $0x11  }
0xbb: {  	s0 =	sor.u32 s1, s0  }
0xbc: {  	s0 =	sadd.s32 $0x8F2B, s0  }
0xbd: {  	[sflag:s0] =	ssyncadd.remote.s32 $0x1  }
0xbe: {  	_ =	sfence.sel $0xFFFF  }
0xbf: {  	[dreg:$0x0] =	wrdreg $0xFFFFFFFF;
	(pc) =	sbr.abs _section_cstart, $3  }
0xc0: {  	[dreg:$0x1] =	wrdreg $0xFFFFFFFF  }
0xc1: {  	_ =	task.clear_ibuf [dreg:s6], $0x2FFFF;
	_ =	strace $0x9FFFFFFF  }
0xc2: {  	(tm) =	ssettm $0x7FFFFFFF  }
0xc3: {  	_ =	shalt  }
tec
execute0_lowered:
.L_overlay_start_1:
0x0: {  	(tag) =	ssettag $0x1  }
0x1: {  	s0 =	srdreg.scid;
	s11 =	rddreg [dreg:$0x0]  }
0x2: {  	s14 =	stileid.u32;
	s2 =	rddreg [dreg:$0x1]  }
0x3: {  	s3 =	simm.s32 $0x0;
	s17 =	simm.s32 $0x4F00;
	s18 =	simm.s32 $0x5  }
0x4: {  	s19 =	simm.s32 $0x2780;
	s20 =	simm.s32 $0x70;
	s21 =	simm.s32 $0x8700  }
0x5: {  	s22 =	simm.s32 $0x1;
	s23 =	simm.s32 $0x3;
	s25 =	simm.s32 $0x2  }
0x6: {  	s28 =	simm.s32 $0x4;
	s24 =	simm.s32 $0x26F0;
	s31 =	simm.s32 $0x0  }
0x7: {  	s0 =	sand.u32 $0x1, s0;
	[smem:$0x7FF] =	sst s3;
	s6 =	smul.u32 $0x13C00, s14  }
0x8: {  	s8 =	smul.u32 $0x4F000, s14;
	s30 =	sadd.s32 $0xE294, s11;
	s1 =	sshll.u32 s0, $0x4  }
0x9: {  	s5 =	smul.u32 $0x13C000, s0;
	_ =	strace $0x8000004A;
	s0 =	ssub.s32 $0x2, s0  }
0xa: {  	[dreg:$0x5] =	wrdreg s30;
	s1 =	sor.u32 s14, s1;
	s26 =	sshrl.u32 s8, $0x2  }
0xb: {  	s29 =	sshrl.u32 s0, $0x1;
	s4 =	smul.u32 $0x2760, s1;
	s5 =	sadd.s32 s6, s5  }
0xc: {  	s0 =	ssub.s32 s0, s29;
	p0 =	seq.s32 s1, $0x1F;
	s5 =	sshrl.u32 s5, $0x3  }
0xd: {  	s16 =	smax.u32 s0, $0x1;
	s7 =	sshrl.u32 s4, $0x3;
	s4 =	sadd.s32 $0x18400, s11  }
0xe: {  	s13 =	sadd.s32 s5, s11;
	s5 =	sadd.s32 s26, s2;
	s26 =	simm.s32 $0x4E70  }
0xf: {  	s12 =	sadd.s32 s7, s11;
	s6 =	sadd.s32 $0x3800, s5;
	s11 =	sadd.s32 $0x17ED4, s11  }
0x10: {  	s7 =	sadd.s32 $0x7000, s5;
	s15 =	sadd.s32 $0x4A00, s12;
	[dreg:$0x6] =	wrdreg s11  }
0x11: {  	s8 =	sadd.s32 $0xA800, s5;
	s12 =	sadd.s32 $0xE640, s12;
	[dreg:$0x3] =	wrdreg s15  }
0x12: {  	v0 =	vlaneseq.u32;
	s9 =	sadd.s32 $0xE000, s5;
	s10 =	sadd.s32 $0x11800, s5;
	[dreg:$0x4] =	wrdreg s12  }
0x13: {  	v1 =	vimm.f32 $0.0e+00;
	v2 =	vor.u32 $0x2710, v0;
	s15 =	sadd.s32 $0x66600, s13;
	s12 =	simm.s32 $0xE0;
	s13 =	simm.s32 $0x27F0  }
.LBB2_1:
0x14: {  	s0 =	simm.s32 $0x0;
	s1 =	simm.s32 $0x200  }
.LBB2_2:
0x15: {  	p1 =	sne.s32 s1, $0xDE00;
	[tilespmem:s0+$0x4F70] =	vst v1  }
0x16: {  	[tilespmem:s0+$0x4F00] =	vst v1  }
0x17: {  	[tilespmem:s0+$0x4F10] =	vst v1  }
.Ltmp0:
0x18: {  	[tilespmem:s0+$0x4F20] =	vst v1;
	(pc) =	sbr.rel @p1 .LBB2_2-.Ltmp0, $4  }
0x19: {  	[tilespmem:s0+$0x4F30] =	vst v1  }
0x1a: {  	[tilespmem:s0+$0x4F40] =	vst v1  }
0x1b: {  	[tilespmem:s0+$0x4F50] =	vst v1  }
0x1c: {  	[tilespmem:s0+$0x4F60] =	vst v1;
	s0 =	sshra.s32 s1, $0x2;
	s1 =	sadd.s32 $0x200, s1  }
0x1d: {  	[tilespmem:s0+$0x4F70] =	vst v1  }
0x1e: {  	[tilespmem:s0+$0x4F00] =	vst v1  }
0x1f: {  	[tilespmem:s0+$0x4F10] =	vst v1  }
0x20: {  	[tilespmem:s0+$0x4F20] =	vst v1  }
0x21: {  	[tilespmem:s0+$0x4F30] =	vst v1  }
0x22: {  	[tilespmem:s0+$0x4F40] =	vst v1  }
0x23: {  	[tilespmem:s0+$0x4F50] =	vst v1  }
0x24: {  	[tilespmem:s0+$0x4F60] =	vst v1  }
0x25: {  	[spmem:s5] =	stream.linear.scatter [tilespmem:s17], [sflag:$0x5], $0x3800, $0x38;
	[tilespmem:$0x1FB00] =	vst v63  }
0x26: {  	_ =	swait.ge [sflag:s18], $0x3800  }
0x27: {  	[sflag:s18] =	ssyncset.done $0x0  }
0x28: {  	[sflag:s18] =	ssyncadd.s32 $0xFFFFC800  }
0x29: {  	[spmem:s6] =	stream.linear.scatter [tilespmem:s17], [sflag:$0x5], $0x3800, $0x38;
	[tilespmem:$0x1FB00] =	vst v63  }
0x2a: {  	_ =	swait.ge [sflag:s18], $0x3800  }
0x2b: {  	[sflag:s18] =	ssyncset.done $0x0  }
0x2c: {  	[sflag:s18] =	ssyncadd.s32 $0xFFFFC800  }
0x2d: {  	[spmem:s7] =	stream.linear.scatter [tilespmem:s17], [sflag:$0x5], $0x3800, $0x38;
	[tilespmem:$0x1FB00] =	vst v63  }
0x2e: {  	_ =	swait.ge [sflag:s18], $0x3800  }
0x2f: {  	[sflag:s18] =	ssyncset.done $0x0  }
0x30: {  	[sflag:s18] =	ssyncadd.s32 $0xFFFFC800  }
0x31: {  	[spmem:s8] =	stream.linear.scatter [tilespmem:s17], [sflag:$0x5], $0x3800, $0x38;
	[tilespmem:$0x1FB00] =	vst v63  }
0x32: {  	_ =	swait.ge [sflag:s18], $0x3800  }
0x33: {  	[sflag:s18] =	ssyncset.done $0x0  }
0x34: {  	[sflag:s18] =	ssyncadd.s32 $0xFFFFC800  }
0x35: {  	[spmem:s9] =	stream.linear.scatter [tilespmem:s17], [sflag:$0x5], $0x3800, $0x38;
	[tilespmem:$0x1FB00] =	vst v63  }
0x36: {  	_ =	swait.ge [sflag:s18], $0x3800  }
0x37: {  	[sflag:s18] =	ssyncset.done $0x0  }
.Ltmp1:
0x38: {  	[sflag:s18] =	ssyncadd.s32 $0xFFFFC800;
	(pc) =	sbr.rel @!p0 .LBB2_4-.Ltmp1, $4  }
0x39: {  	[spmem:s10] =	stream.linear.scatter [tilespmem:s17], [sflag:$0x5], $0x2400, $0x38;
	[tilespmem:$0x1FB00] =	vst v63  }
0x3a: {  	_ =	swait.ge [sflag:s18], $0x2400  }
0x3b: {  	[sflag:s18] =	ssyncset.done $0x0  }
0x3c: {  	[sflag:s18] =	ssyncadd.s32 $0xFFFFDC00  }
0x3d: {  	s11 =	simm.s32 $0x0;
	s0 =	rddreg [dreg:$0x5]  }
0x3e: {  	[tilespmem:s11], [sflag:$0x5] =	stream.linear.gather [hbm4b:s0+s11], $0x1D60, $0x38;
	[tilespmem:$0x1FB00] =	vst v63  }
0x3f: {  	s26 =	smul.u32 $0x25, s11  }
0x40: {  	_ =	swait.ge [sflag:s18], $0x1D60  }
0x41: {  	s29 =	simm.s32 $0x1;
	[sflag:s18] =	ssyncset.done $0x0;
	s0 =	sshrl.u32 s26, $0x8  }
0x42: {  	s1 =	rddreg [dreg:$0x6];
	[sflag:s18] =	ssyncadd.s32 $0xFFFFE2A0;
	s12 =	ssub.s32 $0x0, s0  }
0x43: {  	[tilespmem:s19], [sflag:$0x5] =	stream.linear.gather [hbm4b:s1+s11], $0x1D60, $0x38;
	[tilespmem:$0x1FB00] =	vst v63  }
0x44: {  	s12 =	sand.u32 $0xFE, s12;
	s1 =	smul.u32 $0x25, s29  }
0x45: {  	s24 =	simm.s32 $0x1D60;
	s12 =	sshrl.u32 s12, $0x1  }
0x46: {  	v3 =	vor.u32 s11, v0;
	s11 =	simm.s32 $0x1D70;
	s0 =	sadd.s32 s0, s12;
	s30 =	sshrl.u32 s1, $0x8  }
0x47: {  	_ =	swait.ge [sflag:s18], $0x1D60;
	s0 =	sshrl.u32 s0, $0x2;
	s13 =	ssub.s32 $0x1, s30  }
0x48: {  	s1 =	simm.s32 $0x2;
	s14 =	smul.u32 $0x7, s0;
	s29 =	sand.u32 $0xFE, s13  }
0x49: {  	[sflag:s18] =	ssyncset.done $0x0;
	s26 =	smul.u32 $0x25, s1;
	s13 =	sshrl.u32 s29, $0x1  }
0x4a: {  	[sflag:s18] =	ssyncadd.s32 $0xFFFFE2A0;
	s14 =	ssub.s32 $0x0, s14;
	s12 =	sadd.s32 s30, s13  }
0x4b: {  	s30 =	sshll.u32 s14, $0x4;
	s14 =	sshrl.u32 s26, $0x8;
	s12 =	sshrl.u32 s12, $0x2  }
0x4c: {  	s29 =	sand.u32 $0xF0, s30;
	s26 =	ssub.s32 $0x2, s14;
	s12 =	smul.u32 $0x7, s12  }
0x4d: {  	s0 =	simm.s32 $0x44E0;
	[tilespmem:s24+$0x0] =	vst v3;
	s13 =	simm.s32 $0x3;
	v3 =	vadd.s32 s29, v2;
	s30 =	sand.u32 $0xFE, s26  }
0x4e: {  	[tilespmem:s0+$0x0] =	vst v3;
	s26 =	sshrl.u32 s30, $0x1;
	s24 =	ssub.s32 $0x1, s12;
	s12 =	simm.s32 $0x10  }
.LBB2_6:
0x4f: {  	s29 =	smul.u32 $0x25, s13;
	s26 =	sadd.s32 s14, s26;
	s14 =	sshll.u32 s24, $0x4  }
0x50: {  	s24 =	smov.u32 s1;
	s1 =	smov.u32 s13;
	p1 =	sne.s32 s13, $0x9F  }
.Ltmp2:
0x51: {  	s13 =	sadd.s32 $0x1, s13;
	v3 =	vor.u32 s12, v0;
	s30 =	sand.u32 $0xF0, s14;
	(pc) =	sbr.rel @p1 .LBB2_6-.Ltmp2, $4  }
0x52: {  	s0 =	sadd.s32 $0x10, s0;
	s26 =	sshrl.u32 s26, $0x2;
	s14 =	sshrl.u32 s29, $0x8;
	[tilespmem:s11+$0x0] =	vst v3;
	v3 =	vadd.s32 s30, v2  }
0x53: {  	s30 =	smul.u32 $0x7, s26;
	s29 =	ssub.s32 s1, s14;
	[tilespmem:s0+$0x0] =	vst v3  }
0x54: {  	s11 =	sadd.s32 $0x10, s11;
	s26 =	sand.u32 $0xFE, s29  }
0x55: {  	s12 =	sadd.s32 $0x10, s12;
	s24 =	ssub.s32 s24, s30;
	s26 =	sshrl.u32 s26, $0x1  }
0x56: {  	s13 =	sadd.s32 s14, s26  }
0x57: {  	s13 =	sshrl.u32 s13, $0x2  }
0x58: {  	s13 =	smul.u32 $0x7, s13  }
0x59: {  	s26 =	sshll.u32 s24, $0x4  }
.Ltmp3:
0x5a: {  	v3 =	vor.u32 s12, v0;
	s14 =	sand.u32 $0xF0, s26;
	s1 =	ssub.s32 s1, s13;
	(pc) =	sbr.rel .LBB2_8-.Ltmp3, $4  }
0x5b: {  	s0 =	sadd.s32 $0x10, s0;
	s29 =	sadd.s32 $0x10, s12;
	[tilespmem:s11+$0x0] =	vst v3;
	v3 =	vadd.s32 s14, v2;
	s1 =	sshll.u32 s1, $0x4  }
0x5c: {  	s30 =	sadd.s32 $0x10, s11;
	[tilespmem:s0+$0x0] =	vst v3;
	v3 =	vor.u32 s29, v0;
	s1 =	sand.u32 $0xF0, s1  }
0x5d: {  	s12 =	simm.s32 $0xE0;
	s24 =	simm.s32 $0x26F0;
	s0 =	sadd.s32 $0x10, s0;
	[tilespmem:s30+$0x0] =	vst v3;
	v3 =	vadd.s32 s1, v2  }
0x5e: {  	s26 =	simm.s32 $0x4E70;
	s14 =	stileid.u32;
	s13 =	simm.s32 $0x27F0;
	[tilespmem:s0+$0x0] =	vst v3  }
.LBB2_4:
0x5f: {  	s0 =	rddreg [dreg:$0x3]  }
0x60: {  	[tilespmem:s3], [sflag:$0x5] =	stream.linear.gather [hbm4b:s0+s3], $0x2760, $0x38;
	[tilespmem:$0x1FB00] =	vst v63  }
0x61: {  	_ =	swait.ge [sflag:s18], $0x2760  }
0x62: {  	[sflag:s18] =	ssyncset.done $0x0  }
0x63: {  	s30 =	rddreg [dreg:$0x4];
	[sflag:s18] =	ssyncadd.s32 $0xFFFFD8A0  }
0x64: {  	[tilespmem:s19], [sflag:$0x5] =	stream.linear.gather [hbm4b:s30+s3], $0x2760, $0x38;
	[tilespmem:$0x1FB00] =	vst v63  }
0x65: {  	_ =	swait.ge [sflag:s18], $0x2760  }
0x66: {  	[sflag:s18] =	ssyncset.done $0x0  }
0x67: {  	[sflag:s18] =	ssyncadd.s32 $0xFFFFD8A0  }
.LBB2_8:
0x68: {  	[bflag:$0x0] =	sbarrier.arrive $0xFFFF  }
0x69: {  	[tilespmem:s17], [sflag:$0x1] =	stream.indirect.gather [hbm4b:s4+s20], $0x80, s3, s20, $0xb8;
	[tilespmem:$0x1FB00] =	vst v63  }
0x6a: {  	_ = 	snop  }
0x6b: {  	[tilespmem:s21], [sflag:$0x2] =	stream.indirect.gather [hbm4b:s4+s20], $0x80, s20, s20, $0xb8;
	[tilespmem:$0x1FB00] =	vst v63  }
0x6c: {  	_ =	swait.ge [sflag:s22], $0x3800  }
0x6d: {  	[sflag:s22] =	ssyncset.done $0x0  }
0x6e: {  	[sflag:s22] =	ssyncadd.s32 $0xFFFFC800  }
0x6f: {  	[spmem:s2] =	stream.indirect.scatter.add.f32 [tilespmem:s17], [sflag:$0x3], $0x80, s19, s20, $0xb8;
	[tilespmem:$0x1FB00] =	vst v63  }
0x70: {  	_ =	swait.ge [sflag:s23], $0x3800  }
0x71: {  	[sflag:s23] =	ssyncset.done $0x0  }
0x72: {  	[sflag:s23] =	ssyncadd.s32 $0xFFFFC800  }
0x73: {  	[tilespmem:s17], [sflag:$0x1] =	stream.indirect.gather [hbm4b:s4+s20], $0x80, s12, s20, $0xb8;
	[tilespmem:$0x1FB00] =	vst v63  }
0x74: {  	_ =	swait.ge [sflag:s25], $0x3800  }
0x75: {  	[sflag:s25] =	ssyncset.done $0x0  }
0x76: {  	[sflag:s25] =	ssyncadd.s32 $0xFFFFC800  }
0x77: {  	[spmem:s2] =	stream.indirect.scatter.add.f32 [tilespmem:s21], [sflag:$0x4], $0x80, s13, s20, $0xb8;
	[tilespmem:$0x1FB00] =	vst v63  }
0x78: {  	_ =	swait.ge [sflag:s28], $0x3800  }
0x79: {  	[sflag:s28] =	ssyncset.done $0x0  }
0x7a: {  	s0 =	simm.s32 $0x150;
	[sflag:s28] =	ssyncadd.s32 $0xFFFFC800  }
0x7b: {  	[tilespmem:s21], [sflag:$0x2] =	stream.indirect.gather [hbm4b:s4+s20], $0x80, s0, s20, $0xb8;
	[tilespmem:$0x1FB00] =	vst v63  }
0x7c: {  	_ =	swait.ge [sflag:s22], $0x3800  }
0x7d: {  	[sflag:s22] =	ssyncset.done $0x0  }
0x7e: {  	s29 =	simm.s32 $0x2860;
	[sflag:s22] =	ssyncadd.s32 $0xFFFFC800  }
0x7f: {  	[spmem:s2] =	stream.indirect.scatter.add.f32 [tilespmem:s17], [sflag:$0x3], $0x80, s29, s20, $0xb8;
	[tilespmem:$0x1FB00] =	vst v63  }
0x80: {  	_ =	swait.ge [sflag:s23], $0x3800  }
0x81: {  	[sflag:s23] =	ssyncset.done $0x0  }
0x82: {  	s30 =	simm.s32 $0x1C0;
	[sflag:s23] =	ssyncadd.s32 $0xFFFFC800  }
0x83: {  	[tilespmem:s17], [sflag:$0x1] =	stream.indirect.gather [hbm4b:s4+s20], $0x80, s30, s20, $0xb8;
	[tilespmem:$0x1FB00] =	vst v63  }
0x84: {  	_ =	swait.ge [sflag:s25], $0x3800  }
0x85: {  	[sflag:s25] =	ssyncset.done $0x0  }
0x86: {  	s1 =	simm.s32 $0x28D0;
	s0 =	simm.s32 $0xFFFF6D00;
	[sflag:s25] =	ssyncadd.s32 $0xFFFFC800  }
.LBB2_9:
0x87: {  	[spmem:s2] =	stream.indirect.scatter.add.f32 [tilespmem:s21], [sflag:$0x4], $0x80, s1, s20, $0xb8;
	[tilespmem:$0x1FB00] =	vst v63  }
0x88: {  	s1 =	smov.u32 s0;
	s0 =	sadd.s32 $0x380, s0;
	_ =	swait.ge [sflag:s28], $0x3800  }
0x89: {  	s1 =	sshra.s32 s1, $0x2;
	p1 =	sne.s32 s0, $0x0;
	[sflag:s28] =	ssyncset.done $0x0  }
0x8a: {  	s11 =	sadd.s32 $0x26F0, s1;
	[sflag:s28] =	ssyncadd.s32 $0xFFFFC800  }
0x8b: {  	[tilespmem:s21], [sflag:$0x2] =	stream.indirect.gather [hbm4b:s4+s20], $0x80, s11, s20, $0xb8;
	[tilespmem:$0x1FB00] =	vst v63  }
0x8c: {  	_ =	swait.ge [sflag:s22], $0x3800  }
0x8d: {  	[sflag:s22] =	ssyncset.done $0x0  }
0x8e: {  	s11 =	sadd.s32 $0x4E00, s1;
	[sflag:s22] =	ssyncadd.s32 $0xFFFFC800  }
0x8f: {  	[spmem:s2] =	stream.indirect.scatter.add.f32 [tilespmem:s17], [sflag:$0x3], $0x80, s11, s20, $0xb8;
	[tilespmem:$0x1FB00] =	vst v63  }
0x90: {  	_ =	swait.ge [sflag:s23], $0x3800  }
0x91: {  	[sflag:s23] =	ssyncset.done $0x0  }
.Ltmp4:
0x92: {  	s11 =	sadd.s32 $0x2760, s1;
	[sflag:s23] =	ssyncadd.s32 $0xFFFFC800;
	(pc) =	sbr.rel @p1 .LBB2_9-.Ltmp4, $4  }
0x93: {  	[tilespmem:s17], [sflag:$0x1] =	stream.indirect.gather [hbm4b:s4+s20], $0x80, s11, s20, $0xb8;
	[tilespmem:$0x1FB00] =	vst v63  }
0x94: {  	_ =	swait.ge [sflag:s25], $0x3800  }
0x95: {  	[sflag:s25] =	ssyncset.done $0x0  }
0x96: {  	s1 =	sadd.s32 $0x4E70, s1;
	[sflag:s25] =	ssyncadd.s32 $0xFFFFC800  }
0x97: {  	[spmem:s2] =	stream.indirect.scatter.add.f32 [tilespmem:s21], [sflag:$0x4], $0x80, s1, s20, $0xb8;
	[tilespmem:$0x1FB00] =	vst v63  }
0x98: {  	_ =	swait.ge [sflag:s28], $0x3800  }
0x99: {  	[sflag:s28] =	ssyncset.done $0x0  }
0x9a: {  	[sflag:s28] =	ssyncadd.s32 $0xFFFFC800  }
0x9b: {  	[tilespmem:s21], [sflag:$0x2] =	stream.indirect.gather [hbm4b:s4+s20], $0x80, s24, s20, $0xb8;
	[tilespmem:$0x1FB00] =	vst v63  }
0x9c: {  	_ =	swait.ge [sflag:s22], $0x3800  }
0x9d: {  	s0 =	sshra.s32 s0, $0x2;
	[sflag:s22] =	ssyncset.done $0x0  }
0x9e: {  	s0 =	sadd.s32 $0x4E00, s0;
	[sflag:s22] =	ssyncadd.s32 $0xFFFFC800  }
0x9f: {  	[spmem:s2] =	stream.indirect.scatter.add.f32 [tilespmem:s17], [sflag:$0x3], $0x80, s0, s20, $0xb8;
	[tilespmem:$0x1FB00] =	vst v63  }
0xa0: {  	_ =	swait.ge [sflag:s23], $0x3800  }
0xa1: {  	[sflag:s23] =	ssyncset.done $0x0  }
0xa2: {  	[sflag:s23] =	ssyncadd.s32 $0xFFFFC800  }
0xa3: {  	_ =	swait.ge [sflag:s25], $0x3800  }
0xa4: {  	[sflag:s25] =	ssyncset.done $0x0  }
0xa5: {  	[sflag:s25] =	ssyncadd.s32 $0xFFFFC800  }
0xa6: {  	[spmem:s2] =	stream.indirect.scatter.add.f32 [tilespmem:s21], [sflag:$0x4], $0x80, s26, s20, $0xb8;
	[tilespmem:$0x1FB00] =	vst v63  }
0xa7: {  	_ =	swait.ge [sflag:s28], $0x3800  }
0xa8: {  	s29 =	sshll.u32 s14, $0x6;
	s31 =	sadd.s32 $0x1, s31;
	[sflag:s28] =	ssyncset.done $0x0  }
0xa9: {  	s30 =	sshrl.u32 s5, $0x3;
	p1 =	sne.s32 s31, s16;
	[sflag:s28] =	ssyncadd.s32 $0xFFFFC800  }
.Ltmp5:
0xaa: {  	s0 =	sor.u32 $0x1C05, s29;
	[bflag:$0x0] =	sbarrier.arrive $0xFFFF;
	(pc) =	sbr.rel @p1 .LBB2_1-.Ltmp5, $4  }
0xab: {  	[hbm:s15], [sflag:s0] =	dma.local [spmem:s30], $0x2780  }
0xac: {  	_ =	swait.ge [sflag:s18], $0x2780  }
0xad: {  	[sflag:s18] =	ssyncset.done $0x0  }
0xae: {  	[sflag:s18] =	ssyncadd.s32 $0xFFFFD880  }
0xaf: {  	_ =	sfence.sel $0x180000  }
0xb0: {  	[bflag:$0x0] =	sbarrier.arrive $0xFFFF  }
0xb1: {  	_ =	strace $0x9000004A  }
0xb2: {  	[bflag:$0x2] =	sbarrier.arrive $0xFFFF  }
0xb3: {  	p0 =	sne.s32 s14, $0x0;
	s0 =	rddreg [dreg:$0x2]  }
0xb4: {  	s0 =	sadd.s32 @!p0 $0x100000, s0  }
0xb5: {  	[sflag:s0] =	ssyncadd.tile.s32 @!p0 $0x1;
	_ =	shalt  }
.Lfunc_end2:
_tile_overlayer_lowered:
.L_overlay_start_2:
0xb6: {  	(tag) =	ssettag $0x2  }
0xb7: {  	s0 =	rddreg [dreg:$0x0];
	s2 =	stileid.u32  }
0xb8: {  	s1 =	rddreg [dreg:$0x1];
	p0 =	sne.s32 s2, $0x0  }
0xb9: {  	s3 =	rddreg [dreg:$0x2];
	[bflag:$0x3] =	sbarrier.arrive $0xFFFF;
	s2 =	simm.s32 @!p0 $0x1C05  }
0xba: {  	[timem:s3], [sflag:s2] =	dma.local @!p0 [hbm:s0], s1  }
0xbb: {  	s0 =	simm.s32 @!p0 $0x5  }
0xbc: {  	_ =	swait.ge @!p0 [sflag:s0], s1  }
0xbd: {  	s1 =	ssub.s32 @!p0 $0x0, s1;
	[sflag:s0] =	ssyncset.done @!p0 $0x0  }
0xbe: {  	[sflag:s0] =	ssyncadd.s32 @!p0 s1  }
0xbf: {  	[bflag:$0x3] =	sbarrier.arrive $0xFFFF  }
0xc0: {  	_ =	shalt  }

// kernel: kernel.8.cloned.1.call-start
scs
__scs_entry_jumppad:
0x0: {  	(pc) =	sbr.rel $0x88, $3  }
0x1: {  	(tag) =	ssettag $0x0;
	lr =	simm.s32 $0x1  }
0x2: {  	[smem:$0x3F83] =	sst lr;
	_ =	strace $0xD0000000  }
0x3: {  	_ = 	snop  }
0x4: {  	_ = 	snop  }
0x5: {  	_ = 	snop  }
0x6: {  	_ = 	snop  }
0x7: {  	_ = 	snop  }
__scs_overlays_trampoline_lowered:
0x8: {  	[smem:$0x3F92] =	sst s0  }
0x9: {  	[smem:$0x3F93] =	sst s1  }
0xa: {  	[smem:$0x3F94] =	sst s2  }
0xb: {  	[smem:$0x3F95] =	sst s3  }
0xc: {  	[smem:$0x3F96] =	sst s4  }
0xd: {  	[smem:$0x3F97] =	sst s5  }
0xe: {  	[smem:$0x3F98] =	sst s6  }
0xf: {  	[smem:$0x3F99] =	sst s7  }
0x10: {  	[smem:$0x3F9A] =	sst s8  }
0x11: {  	[smem:$0x3F9B] =	sst s9;
	s0 =	simm.s32 @!p0 $0x0  }
0x12: {  	s1 =	sld [smem:$0x3F81];
	s0 =	simm.s32 @p0 $0x1  }
0x13: {  	[smem:$0x3F9C] =	sst s0;
	s0 =	simm.s32 @!p1 $0x0  }
0x14: {  	s2 =	sld [smem:$0x3F80];
	s0 =	simm.s32 @p1 $0x1  }
0x15: {  	[smem:$0x3F9D] =	sst s0;
	s0 =	simm.s32 @!p2 $0x0  }
0x16: {  	s3 =	sld [smem:$0x3FDB];
	s0 =	simm.s32 @p2 $0x1  }
0x17: {  	s4 =	simm.s32 $0x1BF5;
	[smem:$0x3F9F] =	sst s0  }
0x18: {  	s0 =	sld [smem:$0x3F82];
	_ =	swait.ge [sflag:s4], $0x0  }
0x19: {  	s7 =	sld [smem:$0x3F83]  }
0x1a: {  	s8 =	sadd.s32 $0xFFFFE003, lr  }
0x1b: {  	s9 =	sadd.s32 $0xFFFFFEF7, lr;
	s5 =	simm.s32 $0xFFFFFFFF;
	p2 =	slt.u32 s8, $0xFFFFF086  }
0x1c: {  	p1 =	slt.u32 s9, $0xF7A;
	s5 =	simm.s32 @!p2 $0x0  }
0x1d: {  	s5 =	simm.s32 @p1 $0x1;
	p0 =	seq.s32 s7, s2  }
0x1e: {  	s7 =	smul.u32 @!p0 $0xF7A, s2;
	p2 =	seq.s32 @!p0 s5, $0x0  }
0x1f: {  	s9 =	smul.u32 $0xF7A, s1;
	s8 =	simm.s32 @!p0 $0x1BF5;
	p2 =	por !p2, p0  }
0x20: {  	[sflag:s8] =	ssyncset.s32 @!p0 $0xFFFFF086;
	s6 =	sadd.s32 @!p0 s3, s7;
	s7 =	simm.s32 @!p0 $0x108  }
0x21: {  	s3 =	sadd.s32 s3, s9;
	s6 =	sadd.s32 @!p0 $0x88, s6;
	s7 =	simm.s32 @p2 $0x1082  }
0x22: {  	[simem:s7], [sflag:s8] =	dma.local @!p0 [hbm:s6], $0xF7A  }
0x23: {  	s9 =	sor.u32 $0xD0000000, s2;
	s6 =	simm.s32 $0x108;
	_ =	swait.ge @!p0 [sflag:s8], $0x0  }
0x24: {  	s3 =	sadd.s32 $0x88, s3;
	s6 =	simm.s32 @!p1 $0x1082;
	[sflag:s4] =	ssyncset.s32 $0xFFFFF086  }
0x25: {  	[simem:s6], [sflag:s4] =	dma.local [hbm:s3], $0xF7A  }
0x26: {  	[smem:$0x3F83] =	sst s1;
	(tag) =	ssettag s2;
	_ =	strace s9  }
0x27: {  	s1 =	sld [smem:$0x3F93]  }
0x28: {  	s2 =	sld [smem:$0x3F94]  }
0x29: {  	s4 =	sld [smem:$0x3F96]  }
0x2a: {  	p0 =	seq.s32 s5, $0x0;
	s5 =	sld [smem:$0x3F97]  }
0x2b: {  	s6 =	sld [smem:$0x3F98]  }
0x2c: {  	s7 =	sld [smem:$0x3F99]  }
0x2d: {  	s3 =	simm.s32 $0x108;
	s8 =	sld [smem:$0x3F9A]  }
0x2e: {  	s3 =	simm.s32 @!p0 $0x1082;
	s9 =	sld [smem:$0x3F9B]  }
0x2f: {  	lr =	sadd.s32 s0, s3;
	s0 =	sld [smem:$0x3F92]  }
0x30: {  	s3 =	sld [smem:$0x3F95]  }
0x31: {  	[smem:$0x3F9E] =	sst s10  }
0x32: {  	s10 =	sld [smem:$0x3F9C];
	_ =	sdelay $0x3  }
0x33: {  	p0 =	seq.s32 s10, $0x1;
	s10 =	sld [smem:$0x3F9E];
	_ =	sdelay $0x3  }
0x34: {  	[smem:$0x3F9E] =	sst s10  }
0x35: {  	s10 =	sld [smem:$0x3F9D];
	_ =	sdelay $0x3  }
0x36: {  	p1 =	seq.s32 s10, $0x1;
	s10 =	sld [smem:$0x3F9E];
	_ =	sdelay $0x3  }
0x37: {  	[smem:$0x3F9E] =	sst s10  }
0x38: {  	s10 =	sld [smem:$0x3F9F]  }
0x39: {  	_ = 	snop;
	(pc) =	sbr.ind lr, $3  }
0x3a: {  	_ = 	snop  }
0x3b: {  	_ = 	snop  }
0x3c: {  	p2 =	seq.s32 s10, $0x1;
	s10 =	sld [smem:$0x3F9E]  }
0x3d: {  	_ =	shalt  }
0x3e: {  	_ =	shalt  }
0x3f: {  	_ =	shalt  }
0x40: {  	_ =	shalt  }
0x41: {  	_ =	shalt  }
0x42: {  	_ =	shalt  }
0x43: {  	_ =	shalt  }
0x44: {  	_ =	shalt  }
0x45: {  	_ =	shalt  }
0x46: {  	_ =	shalt  }
0x47: {  	_ =	shalt  }
0x48: {  	_ =	shalt  }
0x49: {  	_ =	shalt  }
0x4a: {  	_ =	shalt  }
0x4b: {  	_ =	shalt  }
0x4c: {  	_ =	shalt  }
0x4d: {  	_ =	shalt  }
0x4e: {  	_ =	shalt  }
0x4f: {  	_ =	shalt  }
0x50: {  	_ =	shalt  }
0x51: {  	_ =	shalt  }
0x52: {  	_ =	shalt  }
0x53: {  	_ =	shalt  }
0x54: {  	_ =	shalt  }
0x55: {  	_ =	shalt  }
0x56: {  	_ =	shalt  }
0x57: {  	_ =	shalt  }
0x58: {  	_ =	shalt  }
0x59: {  	_ =	shalt  }
0x5a: {  	_ =	shalt  }
0x5b: {  	_ =	shalt  }
0x5c: {  	_ =	shalt  }
0x5d: {  	_ =	shalt  }
0x5e: {  	_ =	shalt  }
0x5f: {  	_ =	shalt  }
0x60: {  	_ =	shalt  }
0x61: {  	_ =	shalt  }
0x62: {  	_ =	shalt  }
0x63: {  	_ =	shalt  }
0x64: {  	_ =	shalt  }
0x65: {  	_ =	shalt  }
0x66: {  	_ =	shalt  }
0x67: {  	_ =	shalt  }
0x68: {  	_ =	shalt  }
0x69: {  	_ =	shalt  }
0x6a: {  	_ =	shalt  }
0x6b: {  	_ =	shalt  }
0x6c: {  	_ =	shalt  }
0x6d: {  	_ =	shalt  }
0x6e: {  	_ =	shalt  }
0x6f: {  	_ =	shalt  }
0x70: {  	_ =	shalt  }
0x71: {  	_ =	shalt  }
0x72: {  	_ =	shalt  }
0x73: {  	_ =	shalt  }
0x74: {  	_ =	shalt  }
0x75: {  	_ =	shalt  }
0x76: {  	_ =	shalt  }
0x77: {  	_ =	shalt  }
0x78: {  	_ =	shalt  }
0x79: {  	_ =	shalt  }
0x7a: {  	_ =	shalt  }
0x7b: {  	_ =	shalt  }
0x7c: {  	_ =	shalt  }
0x7d: {  	_ =	shalt  }
0x7e: {  	_ =	shalt  }
0x7f: {  	_ =	shalt  }
0x80: {  	_ =	shalt  }
0x81: {  	_ =	shalt  }
0x82: {  	_ =	shalt  }
0x83: {  	_ =	shalt  }
0x84: {  	_ =	shalt  }
0x85: {  	_ =	shalt  }
0x86: {  	_ =	shalt  }
0x87: {  	_ =	shalt  }
.Lfunc_end0:
.L_simem_size_0:
called_computation_lowered:
.L_overlay_start_0:
0x88: {  	s2 =	sld [smem:$0x3FD9]  }
0x89: {  	s3 =	sld [smem:$0x3FFE];
	_ =	sdelay $0x1  }
0x8a: {  	s1 =	srdreg.scid  }
0x8b: {  	s0 =	sand.u32 $0x1, s1  }
0x8c: {  	s16 =	sshll.u32 s0, $0xA;
	s2 =	sadd.s32 s3, s2  }
0x8d: {  	s2 =	sadd.s32 s2, s16  }
0x8e: {  	[smem:$0x3FAA] =	sst s2  }
0x8f: {  	_ = 	snop  }
0x90: {  	(tm) =	ssettm $0x1  }
0x91: {  	s17 =	sld [smem:$0x3FFB];
	_ =	sdelay $0x3  }
0x92: {  	_ =	strace s17  }
0x93: {  	s2 =	sld [smem:$0x3FFC];
	_ =	sdelay $0x3  }
0x94: {  	_ =	strace s2  }
0x95: {  	s2 =	sld [smem:$0x3FFD];
	_ =	sdelay $0x3  }
0x96: {  	_ =	strace s2  }
0x97: {  	_ =	strace $0x8FFFFFFF  }
0x98: {  	s18 =	sld [smem:$0x3FDB];
	_ =	sdelay $0x1  }
0x99: {  	s19 =	simm.s32 $_scs_section_size  }
0x9a: {  	s4 =	simm.s32 $_size__tile_overlayer_lowered;
	s5 =	simm.s32 $_tile_overlayer_lowered  }
0x9b: {  	s22 =	simm.s32 $0x1BFF;
	s21 =	sshll.u32 s5, $0x1;
	s2 =	sadd.s32 s19, s18  }
0x9c: {  	s6 =	simm.s32 $0x0;
	s20 =	sshll.u32 s4, $0x1;
	s4 =	sadd.s32 s21, s2  }
0x9d: {  	[timem:s6], [sflag:s22] =	dma.local [hbm:s4], s20  }
0x9e: {  	_ =	swait.ge [sflag:s22], s20  }
0x9f: {  	s3 =	ssub.s32 $0x0, s20;
	[sflag:s22] =	ssyncset.done $0x0  }
0xa0: {  	[sflag:s22] =	ssyncadd.s32 s3;
	_ =	sdelay $0x1  }
0xa1: {  	s23 =	simm.s32 $0x1B8B  }
0xa2: {  	_ =	swait.ge [sflag:s23], $0x1  }
0xa3: {  	[sflag:s23] =	ssyncset.done $0x0  }
0xa4: {  	s25 =	simm.s32 $0x1B8E;
	s24 =	sld [smem:$0x3FFE];
	[sflag:s23] =	ssyncadd.s32 $0xFFFFFFFF  }
0xa5: {  	s26 =	simm.s32 $execute0_lowered;
	[smem:$0x3FD2] =	sst s25  }
0xa6: {  	s4 =	sshll.u32 s26, $0x1;
	_ =	strace $0x80000046;
	[dreg:$0x1] =	wrdreg $0xFFFFFFFF  }
0xa7: {  	s28 =	simm.s32 $_size_execute0_lowered;
	s2 =	sadd.s32 s2, s4;
	[dreg:$0x0] =	wrdreg $0x0  }
0xa8: {  	s4 =	sshll.u32 s28, $0x1;
	[dreg:$0x2] =	wrdreg s2  }
0xa9: {  	[dreg:$0x3] =	wrdreg s4  }
0xaa: {  	[dreg:$0x4] =	wrdreg $0xC0  }
0xab: {  	_ =	task [dreg:s6], $0x5FFFF  }
0xac: {  	[dreg:$0x1] =	wrdreg $0xFFFFFFFF  }
0xad: {  	[dreg:$0x0] =	wrdreg $0x60  }
0xae: {  	[dreg:$0x2] =	wrdreg s24  }
0xaf: {  	[dreg:$0x3] =	wrdreg $0xBF000  }
0xb0: {  	[dreg:$0x4] =	wrdreg $0x9  }
0xb1: {  	_ =	task.clear_ibuf [dreg:s6], $0x5FFFF;
	_ =	strace $0x90000046  }
0xb2: {  	s29 =	simm.s32 $0x9;
	_ =	strace $0x80000048  }
0xb3: {  	_ =	swait.ge [sflag:s29], $0x1  }
0xb4: {  	[sflag:s29] =	ssyncadd.s32 $0xFFFFFFFF  }
0xb5: {  	_ =	strace $0x90000048  }
0xb6: {  	_ =	sfence  }
0xb7: {  	s30 =	sld [smem:$0x0];
	_ =	sdelay $0x2  }
0xb8: {  	s31 =	sshll.u32 s1, $0xD;
	s1 =	sshrl.u32 s1, $0x2  }
0xb9: {  	s3 =	sand.u32 $0x4000, s31;
	s1 =	sadd.s32 s1, s30  }
0xba: {  	s0 =	sor.u32 s3, s0;
	s1 =	sshll.u32 s1, $0x11  }
0xbb: {  	s0 =	sor.u32 s1, s0  }
0xbc: {  	s0 =	sadd.s32 $0x8F2B, s0  }
0xbd: {  	[sflag:s0] =	ssyncadd.remote.s32 $0x1  }
0xbe: {  	_ =	sfence.sel $0xFFFF  }
0xbf: {  	[dreg:$0x0] =	wrdreg $0xFFFFFFFF;
	(pc) =	sbr.abs _section_cstart, $3  }
0xc0: {  	[dreg:$0x1] =	wrdreg $0xFFFFFFFF  }
0xc1: {  	_ =	task.clear_ibuf [dreg:s6], $0x2FFFF;
	_ =	strace $0x9FFFFFFF  }
0xc2: {  	(tm) =	ssettm $0x7FFFFFFF  }
0xc3: {  	_ =	shalt  }
tec
execute0_lowered:
.L_overlay_start_1:
0x0: {  	(tag) =	ssettag $0x1  }
0x1: {  	s0 =	srdreg.scid;
	s11 =	rddreg [dreg:$0x0]  }
0x2: {  	s14 =	stileid.u32;
	s2 =	rddreg [dreg:$0x1]  }
0x3: {  	s3 =	simm.s32 $0x0;
	s17 =	simm.s32 $0x4F00;
	s18 =	simm.s32 $0x5  }
0x4: {  	s19 =	simm.s32 $0x2780;
	s20 =	simm.s32 $0x70;
	s21 =	simm.s32 $0x8700  }
0x5: {  	s22 =	simm.s32 $0x1;
	s23 =	simm.s32 $0x3;
	s25 =	simm.s32 $0x2  }
0x6: {  	s28 =	simm.s32 $0x4;
	s24 =	simm.s32 $0x26F0;
	s31 =	simm.s32 $0x0  }
0x7: {  	s0 =	sand.u32 $0x1, s0;
	[smem:$0x7FF] =	sst s3;
	s6 =	smul.u32 $0x13C00, s14  }
0x8: {  	s8 =	smul.u32 $0x4F000, s14;
	s30 =	sadd.s32 $0xE294, s11;
	s1 =	sshll.u32 s0, $0x4  }
0x9: {  	s5 =	smul.u32 $0x13C000, s0;
	_ =	strace $0x80000047;
	s0 =	ssub.s32 $0x2, s0  }
0xa: {  	[dreg:$0x5] =	wrdreg s30;
	s1 =	sor.u32 s14, s1;
	s26 =	sshrl.u32 s8, $0x2  }
0xb: {  	s29 =	sshrl.u32 s0, $0x1;
	s4 =	smul.u32 $0x2760, s1;
	s5 =	sadd.s32 s6, s5  }
0xc: {  	s0 =	ssub.s32 s0, s29;
	p0 =	seq.s32 s1, $0x1F;
	s5 =	sshrl.u32 s5, $0x3  }
0xd: {  	s16 =	smax.u32 s0, $0x1;
	s7 =	sshrl.u32 s4, $0x3;
	s4 =	sadd.s32 $0x18400, s11  }
0xe: {  	s13 =	sadd.s32 s5, s11;
	s5 =	sadd.s32 s26, s2;
	s26 =	simm.s32 $0x4E70  }
0xf: {  	s12 =	sadd.s32 s7, s11;
	s6 =	sadd.s32 $0x3800, s5;
	s11 =	sadd.s32 $0x17ED4, s11  }
0x10: {  	s7 =	sadd.s32 $0x7000, s5;
	s15 =	sadd.s32 $0x4A00, s12;
	[dreg:$0x6] =	wrdreg s11  }
0x11: {  	s8 =	sadd.s32 $0xA800, s5;
	s12 =	sadd.s32 $0xE640, s12;
	[dreg:$0x3] =	wrdreg s15  }
0x12: {  	v0 =	vlaneseq.u32;
	s9 =	sadd.s32 $0xE000, s5;
	s10 =	sadd.s32 $0x11800, s5;
	[dreg:$0x4] =	wrdreg s12  }
0x13: {  	v1 =	vimm.f32 $0.0e+00;
	v2 =	vor.u32 $0x2710, v0;
	s15 =	sadd.s32 $0x66600, s13;
	s12 =	simm.s32 $0xE0;
	s13 =	simm.s32 $0x27F0  }
.LBB2_1:
0x14: {  	s0 =	simm.s32 $0x0;
	s1 =	simm.s32 $0x200  }
.LBB2_2:
0x15: {  	p1 =	sne.s32 s1, $0xDE00;
	[tilespmem:s0+$0x4F70] =	vst v1  }
0x16: {  	[tilespmem:s0+$0x4F00] =	vst v1  }
0x17: {  	[tilespmem:s0+$0x4F10] =	vst v1  }
.Ltmp0:
0x18: {  	[tilespmem:s0+$0x4F20] =	vst v1;
	(pc) =	sbr.rel @p1 .LBB2_2-.Ltmp0, $4  }
0x19: {  	[tilespmem:s0+$0x4F30] =	vst v1  }
0x1a: {  	[tilespmem:s0+$0x4F40] =	vst v1  }
0x1b: {  	[tilespmem:s0+$0x4F50] =	vst v1  }
0x1c: {  	[tilespmem:s0+$0x4F60] =	vst v1;
	s0 =	sshra.s32 s1, $0x2;
	s1 =	sadd.s32 $0x200, s1  }
0x1d: {  	[tilespmem:s0+$0x4F70] =	vst v1  }
0x1e: {  	[tilespmem:s0+$0x4F00] =	vst v1  }
0x1f: {  	[tilespmem:s0+$0x4F10] =	vst v1  }
0x20: {  	[tilespmem:s0+$0x4F20] =	vst v1  }
0x21: {  	[tilespmem:s0+$0x4F30] =	vst v1  }
0x22: {  	[tilespmem:s0+$0x4F40] =	vst v1  }
0x23: {  	[tilespmem:s0+$0x4F50] =	vst v1  }
0x24: {  	[tilespmem:s0+$0x4F60] =	vst v1  }
0x25: {  	[spmem:s5] =	stream.linear.scatter [tilespmem:s17], [sflag:$0x5], $0x3800, $0x38;
	[tilespmem:$0x1FB00] =	vst v63  }
0x26: {  	_ =	swait.ge [sflag:s18], $0x3800  }
0x27: {  	[sflag:s18] =	ssyncset.done $0x0  }
0x28: {  	[sflag:s18] =	ssyncadd.s32 $0xFFFFC800  }
0x29: {  	[spmem:s6] =	stream.linear.scatter [tilespmem:s17], [sflag:$0x5], $0x3800, $0x38;
	[tilespmem:$0x1FB00] =	vst v63  }
0x2a: {  	_ =	swait.ge [sflag:s18], $0x3800  }
0x2b: {  	[sflag:s18] =	ssyncset.done $0x0  }
0x2c: {  	[sflag:s18] =	ssyncadd.s32 $0xFFFFC800  }
0x2d: {  	[spmem:s7] =	stream.linear.scatter [tilespmem:s17], [sflag:$0x5], $0x3800, $0x38;
	[tilespmem:$0x1FB00] =	vst v63  }
0x2e: {  	_ =	swait.ge [sflag:s18], $0x3800  }
0x2f: {  	[sflag:s18] =	ssyncset.done $0x0  }
0x30: {  	[sflag:s18] =	ssyncadd.s32 $0xFFFFC800  }
0x31: {  	[spmem:s8] =	stream.linear.scatter [tilespmem:s17], [sflag:$0x5], $0x3800, $0x38;
	[tilespmem:$0x1FB00] =	vst v63  }
0x32: {  	_ =	swait.ge [sflag:s18], $0x3800  }
0x33: {  	[sflag:s18] =	ssyncset.done $0x0  }
0x34: {  	[sflag:s18] =	ssyncadd.s32 $0xFFFFC800  }
0x35: {  	[spmem:s9] =	stream.linear.scatter [tilespmem:s17], [sflag:$0x5], $0x3800, $0x38;
	[tilespmem:$0x1FB00] =	vst v63  }
0x36: {  	_ =	swait.ge [sflag:s18], $0x3800  }
0x37: {  	[sflag:s18] =	ssyncset.done $0x0  }
.Ltmp1:
0x38: {  	[sflag:s18] =	ssyncadd.s32 $0xFFFFC800;
	(pc) =	sbr.rel @!p0 .LBB2_4-.Ltmp1, $4  }
0x39: {  	[spmem:s10] =	stream.linear.scatter [tilespmem:s17], [sflag:$0x5], $0x2400, $0x38;
	[tilespmem:$0x1FB00] =	vst v63  }
0x3a: {  	_ =	swait.ge [sflag:s18], $0x2400  }
0x3b: {  	[sflag:s18] =	ssyncset.done $0x0  }
0x3c: {  	[sflag:s18] =	ssyncadd.s32 $0xFFFFDC00  }
0x3d: {  	s11 =	simm.s32 $0x0;
	s0 =	rddreg [dreg:$0x5]  }
0x3e: {  	[tilespmem:s11], [sflag:$0x5] =	stream.linear.gather [hbm4b:s0+s11], $0x1D60, $0x38;
	[tilespmem:$0x1FB00] =	vst v63  }
0x3f: {  	s26 =	smul.u32 $0x25, s11  }
0x40: {  	_ =	swait.ge [sflag:s18], $0x1D60  }
0x41: {  	s29 =	simm.s32 $0x1;
	[sflag:s18] =	ssyncset.done $0x0;
	s0 =	sshrl.u32 s26, $0x8  }
0x42: {  	s1 =	rddreg [dreg:$0x6];
	[sflag:s18] =	ssyncadd.s32 $0xFFFFE2A0;
	s12 =	ssub.s32 $0x0, s0  }
0x43: {  	[tilespmem:s19], [sflag:$0x5] =	stream.linear.gather [hbm4b:s1+s11], $0x1D60, $0x38;
	[tilespmem:$0x1FB00] =	vst v63  }
0x44: {  	s12 =	sand.u32 $0xFE, s12;
	s1 =	smul.u32 $0x25, s29  }
0x45: {  	s24 =	simm.s32 $0x1D60;
	s12 =	sshrl.u32 s12, $0x1  }
0x46: {  	v3 =	vor.u32 s11, v0;
	s11 =	simm.s32 $0x1D70;
	s0 =	sadd.s32 s0, s12;
	s30 =	sshrl.u32 s1, $0x8  }
0x47: {  	_ =	swait.ge [sflag:s18], $0x1D60;
	s0 =	sshrl.u32 s0, $0x2;
	s13 =	ssub.s32 $0x1, s30  }
0x48: {  	s1 =	simm.s32 $0x2;
	s14 =	smul.u32 $0x7, s0;
	s29 =	sand.u32 $0xFE, s13  }
0x49: {  	[sflag:s18] =	ssyncset.done $0x0;
	s26 =	smul.u32 $0x25, s1;
	s13 =	sshrl.u32 s29, $0x1  }
0x4a: {  	[sflag:s18] =	ssyncadd.s32 $0xFFFFE2A0;
	s14 =	ssub.s32 $0x0, s14;
	s12 =	sadd.s32 s30, s13  }
0x4b: {  	s30 =	sshll.u32 s14, $0x4;
	s14 =	sshrl.u32 s26, $0x8;
	s12 =	sshrl.u32 s12, $0x2  }
0x4c: {  	s29 =	sand.u32 $0xF0, s30;
	s26 =	ssub.s32 $0x2, s14;
	s12 =	smul.u32 $0x7, s12  }
0x4d: {  	s0 =	simm.s32 $0x44E0;
	[tilespmem:s24+$0x0] =	vst v3;
	s13 =	simm.s32 $0x3;
	v3 =	vadd.s32 s29, v2;
	s30 =	sand.u32 $0xFE, s26  }
0x4e: {  	[tilespmem:s0+$0x0] =	vst v3;
	s26 =	sshrl.u32 s30, $0x1;
	s24 =	ssub.s32 $0x1, s12;
	s12 =	simm.s32 $0x10  }
.LBB2_6:
0x4f: {  	s29 =	smul.u32 $0x25, s13;
	s26 =	sadd.s32 s14, s26;
	s14 =	sshll.u32 s24, $0x4  }
0x50: {  	s24 =	smov.u32 s1;
	s1 =	smov.u32 s13;
	p1 =	sne.s32 s13, $0x9F  }
.Ltmp2:
0x51: {  	s13 =	sadd.s32 $0x1, s13;
	v3 =	vor.u32 s12, v0;
	s30 =	sand.u32 $0xF0, s14;
	(pc) =	sbr.rel @p1 .LBB2_6-.Ltmp2, $4  }
0x52: {  	s0 =	sadd.s32 $0x10, s0;
	s26 =	sshrl.u32 s26, $0x2;
	s14 =	sshrl.u32 s29, $0x8;
	[tilespmem:s11+$0x0] =	vst v3;
	v3 =	vadd.s32 s30, v2  }
0x53: {  	s30 =	smul.u32 $0x7, s26;
	s29 =	ssub.s32 s1, s14;
	[tilespmem:s0+$0x0] =	vst v3  }
0x54: {  	s11 =	sadd.s32 $0x10, s11;
	s26 =	sand.u32 $0xFE, s29  }
0x55: {  	s12 =	sadd.s32 $0x10, s12;
	s24 =	ssub.s32 s24, s30;
	s26 =	sshrl.u32 s26, $0x1  }
0x56: {  	s13 =	sadd.s32 s14, s26  }
0x57: {  	s13 =	sshrl.u32 s13, $0x2  }
0x58: {  	s13 =	smul.u32 $0x7, s13  }
0x59: {  	s26 =	sshll.u32 s24, $0x4  }
.Ltmp3:
0x5a: {  	v3 =	vor.u32 s12, v0;
	s14 =	sand.u32 $0xF0, s26;
	s1 =	ssub.s32 s1, s13;
	(pc) =	sbr.rel .LBB2_8-.Ltmp3, $4  }
0x5b: {  	s0 =	sadd.s32 $0x10, s0;
	s29 =	sadd.s32 $0x10, s12;
	[tilespmem:s11+$0x0] =	vst v3;
	v3 =	vadd.s32 s14, v2;
	s1 =	sshll.u32 s1, $0x4  }
0x5c: {  	s30 =	sadd.s32 $0x10, s11;
	[tilespmem:s0+$0x0] =	vst v3;
	v3 =	vor.u32 s29, v0;
	s1 =	sand.u32 $0xF0, s1  }
0x5d: {  	s12 =	simm.s32 $0xE0;
	s24 =	simm.s32 $0x26F0;
	s0 =	sadd.s32 $0x10, s0;
	[tilespmem:s30+$0x0] =	vst v3;
	v3 =	vadd.s32 s1, v2  }
0x5e: {  	s26 =	simm.s32 $0x4E70;
	s14 =	stileid.u32;
	s13 =	simm.s32 $0x27F0;
	[tilespmem:s0+$0x0] =	vst v3  }
.LBB2_4:
0x5f: {  	s0 =	rddreg [dreg:$0x3]  }
0x60: {  	[tilespmem:s3], [sflag:$0x5] =	stream.linear.gather [hbm4b:s0+s3], $0x2760, $0x38;
	[tilespmem:$0x1FB00] =	vst v63  }
0x61: {  	_ =	swait.ge [sflag:s18], $0x2760  }
0x62: {  	[sflag:s18] =	ssyncset.done $0x0  }
0x63: {  	s30 =	rddreg [dreg:$0x4];
	[sflag:s18] =	ssyncadd.s32 $0xFFFFD8A0  }
0x64: {  	[tilespmem:s19], [sflag:$0x5] =	stream.linear.gather [hbm4b:s30+s3], $0x2760, $0x38;
	[tilespmem:$0x1FB00] =	vst v63  }
0x65: {  	_ =	swait.ge [sflag:s18], $0x2760  }
0x66: {  	[sflag:s18] =	ssyncset.done $0x0  }
0x67: {  	[sflag:s18] =	ssyncadd.s32 $0xFFFFD8A0  }
.LBB2_8:
0x68: {  	[bflag:$0x0] =	sbarrier.arrive $0xFFFF  }
0x69: {  	[tilespmem:s17], [sflag:$0x1] =	stream.indirect.gather [hbm4b:s4+s20], $0x80, s3, s20, $0xb8;
	[tilespmem:$0x1FB00] =	vst v63  }
0x6a: {  	_ = 	snop  }
0x6b: {  	[tilespmem:s21], [sflag:$0x2] =	stream.indirect.gather [hbm4b:s4+s20], $0x80, s20, s20, $0xb8;
	[tilespmem:$0x1FB00] =	vst v63  }
0x6c: {  	_ =	swait.ge [sflag:s22], $0x3800  }
0x6d: {  	[sflag:s22] =	ssyncset.done $0x0  }
0x6e: {  	[sflag:s22] =	ssyncadd.s32 $0xFFFFC800  }
0x6f: {  	[spmem:s2] =	stream.indirect.scatter.add.f32 [tilespmem:s17], [sflag:$0x3], $0x80, s19, s20, $0xb8;
	[tilespmem:$0x1FB00] =	vst v63  }
0x70: {  	_ =	swait.ge [sflag:s23], $0x3800  }
0x71: {  	[sflag:s23] =	ssyncset.done $0x0  }
0x72: {  	[sflag:s23] =	ssyncadd.s32 $0xFFFFC800  }
0x73: {  	[tilespmem:s17], [sflag:$0x1] =	stream.indirect.gather [hbm4b:s4+s20], $0x80, s12, s20, $0xb8;
	[tilespmem:$0x1FB00] =	vst v63  }
0x74: {  	_ =	swait.ge [sflag:s25], $0x3800  }
0x75: {  	[sflag:s25] =	ssyncset.done $0x0  }
0x76: {  	[sflag:s25] =	ssyncadd.s32 $0xFFFFC800  }
0x77: {  	[spmem:s2] =	stream.indirect.scatter.add.f32 [tilespmem:s21], [sflag:$0x4], $0x80, s13, s20, $0xb8;
	[tilespmem:$0x1FB00] =	vst v63  }
0x78: {  	_ =	swait.ge [sflag:s28], $0x3800  }
0x79: {  	[sflag:s28] =	ssyncset.done $0x0  }
0x7a: {  	s0 =	simm.s32 $0x150;
	[sflag:s28] =	ssyncadd.s32 $0xFFFFC800  }
0x7b: {  	[tilespmem:s21], [sflag:$0x2] =	stream.indirect.gather [hbm4b:s4+s20], $0x80, s0, s20, $0xb8;
	[tilespmem:$0x1FB00] =	vst v63  }
0x7c: {  	_ =	swait.ge [sflag:s22], $0x3800  }
0x7d: {  	[sflag:s22] =	ssyncset.done $0x0  }
0x7e: {  	s29 =	simm.s32 $0x2860;
	[sflag:s22] =	ssyncadd.s32 $0xFFFFC800  }
0x7f: {  	[spmem:s2] =	stream.indirect.scatter.add.f32 [tilespmem:s17], [sflag:$0x3], $0x80, s29, s20, $0xb8;
	[tilespmem:$0x1FB00] =	vst v63  }
0x80: {  	_ =	swait.ge [sflag:s23], $0x3800  }
0x81: {  	[sflag:s23] =	ssyncset.done $0x0  }
0x82: {  	s30 =	simm.s32 $0x1C0;
	[sflag:s23] =	ssyncadd.s32 $0xFFFFC800  }
0x83: {  	[tilespmem:s17], [sflag:$0x1] =	stream.indirect.gather [hbm4b:s4+s20], $0x80, s30, s20, $0xb8;
	[tilespmem:$0x1FB00] =	vst v63  }
0x84: {  	_ =	swait.ge [sflag:s25], $0x3800  }
0x85: {  	[sflag:s25] =	ssyncset.done $0x0  }
0x86: {  	s1 =	simm.s32 $0x28D0;
	s0 =	simm.s32 $0xFFFF6D00;
	[sflag:s25] =	ssyncadd.s32 $0xFFFFC800  }
.LBB2_9:
0x87: {  	[spmem:s2] =	stream.indirect.scatter.add.f32 [tilespmem:s21], [sflag:$0x4], $0x80, s1, s20, $0xb8;
	[tilespmem:$0x1FB00] =	vst v63  }
0x88: {  	s1 =	smov.u32 s0;
	s0 =	sadd.s32 $0x380, s0;
	_ =	swait.ge [sflag:s28], $0x3800  }
0x89: {  	s1 =	sshra.s32 s1, $0x2;
	p1 =	sne.s32 s0, $0x0;
	[sflag:s28] =	ssyncset.done $0x0  }
0x8a: {  	s11 =	sadd.s32 $0x26F0, s1;
	[sflag:s28] =	ssyncadd.s32 $0xFFFFC800  }
0x8b: {  	[tilespmem:s21], [sflag:$0x2] =	stream.indirect.gather [hbm4b:s4+s20], $0x80, s11, s20, $0xb8;
	[tilespmem:$0x1FB00] =	vst v63  }
0x8c: {  	_ =	swait.ge [sflag:s22], $0x3800  }
0x8d: {  	[sflag:s22] =	ssyncset.done $0x0  }
0x8e: {  	s11 =	sadd.s32 $0x4E00, s1;
	[sflag:s22] =	ssyncadd.s32 $0xFFFFC800  }
0x8f: {  	[spmem:s2] =	stream.indirect.scatter.add.f32 [tilespmem:s17], [sflag:$0x3], $0x80, s11, s20, $0xb8;
	[tilespmem:$0x1FB00] =	vst v63  }
0x90: {  	_ =	swait.ge [sflag:s23], $0x3800  }
0x91: {  	[sflag:s23] =	ssyncset.done $0x0  }
.Ltmp4:
0x92: {  	s11 =	sadd.s32 $0x2760, s1;
	[sflag:s23] =	ssyncadd.s32 $0xFFFFC800;
	(pc) =	sbr.rel @p1 .LBB2_9-.Ltmp4, $4  }
0x93: {  	[tilespmem:s17], [sflag:$0x1] =	stream.indirect.gather [hbm4b:s4+s20], $0x80, s11, s20, $0xb8;
	[tilespmem:$0x1FB00] =	vst v63  }
0x94: {  	_ =	swait.ge [sflag:s25], $0x3800  }
0x95: {  	[sflag:s25] =	ssyncset.done $0x0  }
0x96: {  	s1 =	sadd.s32 $0x4E70, s1;
	[sflag:s25] =	ssyncadd.s32 $0xFFFFC800  }
0x97: {  	[spmem:s2] =	stream.indirect.scatter.add.f32 [tilespmem:s21], [sflag:$0x4], $0x80, s1, s20, $0xb8;
	[tilespmem:$0x1FB00] =	vst v63  }
0x98: {  	_ =	swait.ge [sflag:s28], $0x3800  }
0x99: {  	[sflag:s28] =	ssyncset.done $0x0  }
0x9a: {  	[sflag:s28] =	ssyncadd.s32 $0xFFFFC800  }
0x9b: {  	[tilespmem:s21], [sflag:$0x2] =	stream.indirect.gather [hbm4b:s4+s20], $0x80, s24, s20, $0xb8;
	[tilespmem:$0x1FB00] =	vst v63  }
0x9c: {  	_ =	swait.ge [sflag:s22], $0x3800  }
0x9d: {  	s0 =	sshra.s32 s0, $0x2;
	[sflag:s22] =	ssyncset.done $0x0  }
0x9e: {  	s0 =	sadd.s32 $0x4E00, s0;
	[sflag:s22] =	ssyncadd.s32 $0xFFFFC800  }
0x9f: {  	[spmem:s2] =	stream.indirect.scatter.add.f32 [tilespmem:s17], [sflag:$0x3], $0x80, s0, s20, $0xb8;
	[tilespmem:$0x1FB00] =	vst v63  }
0xa0: {  	_ =	swait.ge [sflag:s23], $0x3800  }
0xa1: {  	[sflag:s23] =	ssyncset.done $0x0  }
0xa2: {  	[sflag:s23] =	ssyncadd.s32 $0xFFFFC800  }
0xa3: {  	_ =	swait.ge [sflag:s25], $0x3800  }
0xa4: {  	[sflag:s25] =	ssyncset.done $0x0  }
0xa5: {  	[sflag:s25] =	ssyncadd.s32 $0xFFFFC800  }
0xa6: {  	[spmem:s2] =	stream.indirect.scatter.add.f32 [tilespmem:s21], [sflag:$0x4], $0x80, s26, s20, $0xb8;
	[tilespmem:$0x1FB00] =	vst v63  }
0xa7: {  	_ =	swait.ge [sflag:s28], $0x3800  }
0xa8: {  	s29 =	sshll.u32 s14, $0x6;
	s31 =	sadd.s32 $0x1, s31;
	[sflag:s28] =	ssyncset.done $0x0  }
0xa9: {  	s30 =	sshrl.u32 s5, $0x3;
	p1 =	sne.s32 s31, s16;
	[sflag:s28] =	ssyncadd.s32 $0xFFFFC800  }
.Ltmp5:
0xaa: {  	s0 =	sor.u32 $0x1C05, s29;
	[bflag:$0x0] =	sbarrier.arrive $0xFFFF;
	(pc) =	sbr.rel @p1 .LBB2_1-.Ltmp5, $4  }
0xab: {  	[hbm:s15], [sflag:s0] =	dma.local [spmem:s30], $0x2780  }
0xac: {  	_ =	swait.ge [sflag:s18], $0x2780  }
0xad: {  	[sflag:s18] =	ssyncset.done $0x0  }
0xae: {  	[sflag:s18] =	ssyncadd.s32 $0xFFFFD880  }
0xaf: {  	_ =	sfence.sel $0x180000  }
0xb0: {  	[bflag:$0x0] =	sbarrier.arrive $0xFFFF  }
0xb1: {  	_ =	strace $0x90000047  }
0xb2: {  	[bflag:$0x2] =	sbarrier.arrive $0xFFFF  }
0xb3: {  	p0 =	sne.s32 s14, $0x0;
	s0 =	rddreg [dreg:$0x2]  }
0xb4: {  	s0 =	sadd.s32 @!p0 $0x100000, s0  }
0xb5: {  	[sflag:s0] =	ssyncadd.tile.s32 @!p0 $0x1;
	_ =	shalt  }
.Lfunc_end2:
_tile_overlayer_lowered:
.L_overlay_start_2:
0xb6: {  	(tag) =	ssettag $0x2  }
0xb7: {  	s0 =	rddreg [dreg:$0x0];
	s2 =	stileid.u32  }
0xb8: {  	s1 =	rddreg [dreg:$0x1];
	p0 =	sne.s32 s2, $0x0  }
0xb9: {  	s3 =	rddreg [dreg:$0x2];
	[bflag:$0x3] =	sbarrier.arrive $0xFFFF;
	s2 =	simm.s32 @!p0 $0x1C05  }
0xba: {  	[timem:s3], [sflag:s2] =	dma.local @!p0 [hbm:s0], s1  }
0xbb: {  	s0 =	simm.s32 @!p0 $0x5  }
0xbc: {  	_ =	swait.ge @!p0 [sflag:s0], s1  }
0xbd: {  	s1 =	ssub.s32 @!p0 $0x0, s1;
	[sflag:s0] =	ssyncset.done @!p0 $0x0  }
0xbe: {  	[sflag:s0] =	ssyncadd.s32 @!p0 s1  }
0xbf: {  	[bflag:$0x3] =	sbarrier.arrive $0xFFFF  }
0xc0: {  	_ =	shalt  }

</sc_bundles>
